<compile_context>
chip_gen: v7x
topology: tpu7x:2x2x1
jax: 0.10.2.dev20260603
libtpu: 0.0.44.dev20260713+nightly
codegen_flags: <defaults>
</compile_context>

<pallas_src>
import functools

import jax
import jax.numpy as jnp
from jax import lax
from jax.experimental import pallas as pl
from jax.experimental.pallas import tpu as pltpu
from jax.experimental.pallas import tpu_sc as plsc

N = 16384
CIN = 64
COUT = 128
M = 4096
K = 16
EPS = 1e-5



def _fps_body(px_ref, py_ref, pz_ref, npx_ref, npy_ref, npz_ref, dist_ref):
    dist_ref[...] = jnp.full((128, 128), 1e10, jnp.float32)
    npx_ref[0:1, :] = px_ref[0:1, 0:1]
    npy_ref[0:1, :] = py_ref[0:1, 0:1]
    npz_ref[0:1, :] = pz_ref[0:1, 0:1]

    def body(i, carry):
        lx, ly, lz = carry
        px = px_ref[...]
        py = py_ref[...]
        pz = pz_ref[...]
        dx = px - lx
        dy = py - ly
        dz = pz - lz
        d = (dx * dx + dz * dz) + dy * dy
        dist = jnp.minimum(dist_ref[...], d)
        dist_ref[...] = dist
        v, cx, cy, cz = dist, px, py, pz
        h = 64
        while h >= 1:
            ta = v[0:h, :] >= v[h : 2 * h, :]
            v = jnp.where(ta, v[0:h, :], v[h : 2 * h, :])
            cx = jnp.where(ta, cx[0:h, :], cx[h : 2 * h, :])
            cy = jnp.where(ta, cy[0:h, :], cy[h : 2 * h, :])
            cz = jnp.where(ta, cz[0:h, :], cz[h : 2 * h, :])
            h //= 2
        v = v.reshape(1, 128).T
        cx = cx.reshape(1, 128).T
        cy = cy.reshape(1, 128).T
        cz = cz.reshape(1, 128).T
        h = 64
        while h >= 1:
            ta = v[0:h, :] >= v[h : 2 * h, :]
            v = jnp.where(ta, v[0:h, :], v[h : 2 * h, :])
            cx = jnp.where(ta, cx[0:h, :], cx[h : 2 * h, :])
            cy = jnp.where(ta, cy[0:h, :], cy[h : 2 * h, :])
            cz = jnp.where(ta, cz[0:h, :], cz[h : 2 * h, :])
            h //= 2
        npx_ref[pl.ds(i, 1), :] = cx
        npy_ref[pl.ds(i, 1), :] = cy
        npz_ref[pl.ds(i, 1), :] = cz
        return (cx[0, 0], cy[0, 0], cz[0, 0])

    lax.fori_loop(1, M, body,
                  (px_ref[0, 0], py_ref[0, 0], pz_ref[0, 0]))


def _fps(px, py, pz):
    out = jax.ShapeDtypeStruct((M, 1), jnp.float32)
    return pl.pallas_call(
        _fps_body,
        out_shape=(out, out, out),
        scratch_shapes=[pltpu.VMEM((128, 128), jnp.float32)],
    )(px, py, pz)



_KNN_R = 128


def _knn_body(pxr_ref, pyr_ref, pzr_ref, npx_ref, npy_ref, npz_ref, knn_ref):
    px = pxr_ref[...]
    py = pyr_ref[...]
    pz = pzr_ref[...]
    dx = npx_ref[...] - px
    dy = npy_ref[...] - py
    dz = npz_ref[...] - pz
    d2 = dx * dx + dy * dy + dz * dz
    col = lax.broadcasted_iota(jnp.int32, (_KNN_R, N), 1)
    inf = jnp.float32(jnp.inf)
    for k in range(K):
        m = jnp.min(d2, axis=1, keepdims=True)
        j = jnp.min(jnp.where(d2 == m, col, jnp.int32(N)), axis=1, keepdims=True)
        knn_ref[:, k : k + 1] = j
        if k + 1 < K:
            d2 = jnp.where(col == j, inf, d2)


def _knn(pxr, pyr, pzr, npx, npy, npz):
    grid = M // _KNN_R
    return pl.pallas_call(
        _knn_body,
        grid=(grid,),
        in_specs=[
            pl.BlockSpec((1, N), lambda i: (0, 0)),
            pl.BlockSpec((1, N), lambda i: (0, 0)),
            pl.BlockSpec((1, N), lambda i: (0, 0)),
            pl.BlockSpec((_KNN_R, 1), lambda i: (i, 0)),
            pl.BlockSpec((_KNN_R, 1), lambda i: (i, 0)),
            pl.BlockSpec((_KNN_R, 1), lambda i: (i, 0)),
        ],
        out_specs=pl.BlockSpec((_KNN_R, K), lambda i: (i, 0)),
        out_shape=jax.ShapeDtypeStruct((M, K), jnp.int32),
    )(pxr, pyr, pzr, npx, npy, npz)



_GYB = 2048
_GYG = N // _GYB


def _tstats_body(x_ref, w2_ref, out_ref, acc_ref):
    i = pl.program_id(0)

    @pl.when(i == 0)
    def _():
        acc_ref[...] = jnp.zeros_like(acc_ref)

    t = jnp.dot(x_ref[...], w2_ref[...], preferred_element_type=jnp.float32)
    acc_ref[0:1, :] += jnp.sum(t, axis=0, keepdims=True)
    acc_ref[1:2, :] += jnp.sum(t * t, axis=0, keepdims=True)

    @pl.when(i == _GYG - 1)
    def _():
        out_ref[...] = acc_ref[...]


def _tstats(x, w2):
    return pl.pallas_call(
        _tstats_body,
        grid=(_GYG,),
        in_specs=[
            pl.BlockSpec((_GYB, CIN), lambda i: (i, 0)),
            pl.BlockSpec((CIN, COUT), lambda i: (0, 0)),
        ],
        out_specs=pl.BlockSpec((2, COUT), lambda i: (0, 0)),
        out_shape=jax.ShapeDtypeStruct((2, COUT), jnp.float32),
        scratch_shapes=[pltpu.VMEM((2, COUT), jnp.float32)],
    )(x, w2)


def _gy_body(pt_ref, x_ref, ws1_ref, w2_ref, g2_ref, b2_ref, st_ref, gy_ref):
    x = x_ref[...]
    ws1 = ws1_ref[...]
    g = lax.dot_general(pt_ref[...], ws1[0:3, :], (((0,), (0,)), ((), ())),
                        preferred_element_type=jnp.float32)
    g = g + jnp.dot(x, ws1[3:, :], preferred_element_type=jnp.float32)
    gy_ref[:, 0:CIN] = g
    inv_n = jnp.float32(1.0 / N)
    mu = st_ref[0:1, :] * inv_n
    var = st_ref[1:2, :] * inv_n - mu * mu
    t = jnp.dot(x, w2_ref[...], preferred_element_type=jnp.float32)
    y = g2_ref[...] * (t - mu) / jnp.sqrt(var + EPS) + b2_ref[...]
    gy_ref[:, CIN:CIN + COUT] = jnp.maximum(y, 0.0)
    gy_ref[:, CIN + COUT:] = jnp.zeros((_GYB, 64), jnp.float32)


def _gy(pt, x, ws1, w2, g2, b2, st):
    return pl.pallas_call(
        _gy_body,
        grid=(_GYG,),
        in_specs=[
            pl.BlockSpec((3, _GYB), lambda i: (0, i)),
            pl.BlockSpec((_GYB, CIN), lambda i: (i, 0)),
            pl.BlockSpec((67, CIN), lambda i: (0, 0)),
            pl.BlockSpec((CIN, COUT), lambda i: (0, 0)),
            pl.BlockSpec((1, COUT), lambda i: (0, 0)),
            pl.BlockSpec((1, COUT), lambda i: (0, 0)),
            pl.BlockSpec((2, COUT), lambda i: (0, 0)),
        ],
        out_specs=pl.BlockSpec((_GYB, _D), lambda i: (i, 0)),
        out_shape=jax.ShapeDtypeStruct((N, _D), jnp.float32),
    )(pt, x, ws1, w2, g2, b2, st)



_D = 256
_CH = 128
_NW = 32
_CPW = (M * K) // _CH // _NW


def _sc_gather_body(gy_hbm, idx_hbm, out_hbm, idx_v, rows_v, sem):
    c = lax.axis_index("c")
    s = lax.axis_index("s")
    wid = s * 2 + c

    def chunk(j, carry):
        r = wid * _CPW + j
        pltpu.sync_copy(idx_hbm.at[r], idx_v)
        pltpu.async_copy(gy_hbm.at[idx_v], rows_v, sem).wait()
        pltpu.sync_copy(rows_v, out_hbm.at[pl.ds(r * _CH, _CH)])
        return carry

    lax.fori_loop(0, _CPW, chunk, 0)


def _sc_gather(gy, idx2d):
    mesh = plsc.VectorSubcoreMesh(core_axis_name="c", subcore_axis_name="s")
    fn = functools.partial(
        pl.kernel,
        out_type=jax.ShapeDtypeStruct((M * K, _D), jnp.float32),
        mesh=mesh,
        scratch_types=[
            pltpu.VMEM((_CH,), jnp.int32),
            pltpu.VMEM((_CH, _D), jnp.float32),
            pltpu.SemaphoreType.DMA,
        ],
    )(_sc_gather_body)
    return fn(gy, idx2d)



_SB = 256
_SG = M // _SB


def _stats_body(gk_ref, npx_ref, npy_ref, npz_ref, wp_ref, out_ref, acc_ref):
    i = pl.program_id(0)

    @pl.when(i == 0)
    def _():
        acc_ref[...] = jnp.zeros_like(acc_ref)

    wp = wp_ref[...]
    cb = (npx_ref[...] * wp[0:1, :] + npy_ref[...] * wp[1:2, :]
          + npz_ref[...] * wp[2:3, :])
    h = gk_ref[...].reshape(_SB, K, CIN) - cb[:, None, :]
    acc_ref[0:1, :] += jnp.sum(h, axis=(0, 1), keepdims=True).reshape(1, CIN)
    acc_ref[1:2, :] += jnp.sum(h * h, axis=(0, 1), keepdims=True).reshape(1, CIN)

    @pl.when(i == _SG - 1)
    def _():
        out_ref[...] = acc_ref[...]


def _stats(gyk, npx, npy, npz, wp):
    return pl.pallas_call(
        _stats_body,
        grid=(_SG,),
        in_specs=[
            pl.BlockSpec((_SB * K, CIN), lambda i: (i, 0)),
            pl.BlockSpec((_SB, 1), lambda i: (i, 0)),
            pl.BlockSpec((_SB, 1), lambda i: (i, 0)),
            pl.BlockSpec((_SB, 1), lambda i: (i, 0)),
            pl.BlockSpec((3, CIN), lambda i: (0, 0)),
        ],
        out_specs=pl.BlockSpec((2, CIN), lambda i: (0, 0)),
        out_shape=jax.ShapeDtypeStruct((2, CIN), jnp.float32),
        scratch_shapes=[pltpu.VMEM((2, CIN), jnp.float32)],
    )(gyk, npx, npy, npz, wp)




def _apply_body(st_ref, gyk_ref, npx_ref, npy_ref, npz_ref, wp_ref, gs_ref,
                bs_ref, w2s_ref, bs2_ref, out_ref):
    inv_n = jnp.float32(1.0 / (M * K))
    mu = st_ref[0:1, :] * inv_n
    var = st_ref[1:2, :] * inv_n - mu * mu
    wp = wp_ref[...]
    cb = (npx_ref[...] * wp[0:1, :] + npy_ref[...] * wp[1:2, :]
          + npz_ref[...] * wp[2:3, :])
    gy = gyk_ref[...]
    h = gy[:, 0:CIN].reshape(_SB, K, CIN) - cb[:, None, :]
    mu3 = mu.reshape(1, 1, CIN)
    den3 = jnp.sqrt(var + EPS).reshape(1, 1, CIN)
    hn = gs_ref[...].reshape(1, 1, CIN) * (h - mu3) / den3 \
        + bs_ref[...].reshape(1, 1, CIN)
    hn = jnp.maximum(hn, 0.0)
    s = jnp.sum(hn * w2s_ref[...].reshape(1, 1, CIN), axis=2) + bs2_ref[0, 0]
    sm = jnp.max(s, axis=1, keepdims=True)
    e = jnp.exp(s - sm)
    prob = e / jnp.sum(e, axis=1, keepdims=True)
    y3 = gy[:, CIN:CIN + COUT].reshape(_SB, K, COUT)
    out_ref[...] = jnp.sum(y3 * prob[:, :, None], axis=1)


def _apply(st, gyk, npx, npy, npz, wp, gs, bs, w2s, bs2):
    return pl.pallas_call(
        _apply_body,
        grid=(_SG,),
        in_specs=[
            pl.BlockSpec((2, CIN), lambda i: (0, 0)),
            pl.BlockSpec((_SB * K, _D), lambda i: (i, 0)),
            pl.BlockSpec((_SB, 1), lambda i: (i, 0)),
            pl.BlockSpec((_SB, 1), lambda i: (i, 0)),
            pl.BlockSpec((_SB, 1), lambda i: (i, 0)),
            pl.BlockSpec((3, CIN), lambda i: (0, 0)),
            pl.BlockSpec((1, CIN), lambda i: (0, 0)),
            pl.BlockSpec((1, CIN), lambda i: (0, 0)),
            pl.BlockSpec((1, CIN), lambda i: (0, 0)),
            pl.BlockSpec((1, 1), lambda i: (0, 0)),
        ],
        out_specs=pl.BlockSpec((_SB, COUT), lambda i: (i, 0)),
        out_shape=jax.ShapeDtypeStruct((M, COUT), jnp.float32),
    )(st, gyk, npx, npy, npz, wp, gs, bs, w2s, bs2)




def kernel(p, x, o, Ws1, gs, bs, Ws2, bs2, W2, g2, b2):
    px = p[:, 0]
    py = p[:, 1]
    pz = p[:, 2]
    npx, npy, npz = _fps(px.reshape(128, 128).T, py.reshape(128, 128).T,
                         pz.reshape(128, 128).T)
    knn = _knn(px.reshape(1, N), py.reshape(1, N), pz.reshape(1, N),
               npx, npy, npz)
    tst = _tstats(x, W2)
    gy = _gy(p.T, x, Ws1, W2, g2.reshape(1, COUT), b2.reshape(1, COUT), tst)
    gyk = _sc_gather(gy, knn.reshape((M * K) // _CH, _CH))
    wp = Ws1[0:3, :]
    st = _stats(gyk[:, 0:CIN], npx, npy, npz, wp)
    y_out = _apply(st, gyk, npx, npy, npz, wp, gs.reshape(1, CIN),
                   bs.reshape(1, CIN), Ws2.reshape(1, CIN),
                   bs2.reshape(1, 1))
    n_p = jnp.concatenate([npx, npy, npz], axis=1)
    n_o = jnp.array([M], dtype=jnp.int32)
    return (n_p, y_out, n_o)

# --- scband reference (transcript-rebuilt; emitter-appended) ---
"""Pipeline reference for scband-symmetric-transition-down-block-paperv3-20899310862387 (READ-ONLY COPY).

The authoritative reference and input builder live on the scoring server;
editing this copy changes nothing except your own understanding.
"""

import jax, jax.numpy as jnp
import numpy as np

N = 16384
IN_PLANES = 64
OUT_PLANES = 128
STRIDE = 4
NSAMPLE = 16
M = N // STRIDE
EPS = 1e-5


def batchnorm1d(h, gamma, beta):
    mu = jnp.mean(h, axis=0)
    var = jnp.var(h, axis=0)
    return gamma * (h - mu) / jnp.sqrt(var + EPS) + beta


def furthest_point_sampling(p, m):
    n = p.shape[0]
    dist = jnp.full((n,), 1e10, dtype=p.dtype)
    idxs = jnp.zeros((m,), dtype=jnp.int32)

    def body(i, state):
        idxs, dist, last = state
        d = jnp.sum((p - p[last]) ** 2, axis=1)
        dist = jnp.minimum(dist, d)
        nxt = jnp.argmax(dist).astype(jnp.int32)
        idxs = idxs.at[i].set(nxt)
        return (idxs, dist, nxt)

    idxs, _, _ = jax.lax.fori_loop(1, m, body, (idxs, dist, jnp.int32(0)))
    return idxs


def knn_query(n_p, p, k):
    d2 = jnp.sum((n_p[:, None, :] - p[None, :, :]) ** 2, axis=-1)
    _, knn_idx = jax.lax.top_k(-d2, k)
    return knn_idx


def setup_inputs(seed: int = 0):
    key = jax.random.key(seed)
    ks = jax.random.split(key, 8)
    p = jax.random.normal(ks[0], (N, 3), dtype=jnp.float32) * 5.0
    x = jax.random.normal(ks[1], (N, IN_PLANES), dtype=jnp.float32)
    o = jnp.array([N], dtype=jnp.int32)
    Ws1 = jax.random.normal(ks[2], (3 + IN_PLANES, IN_PLANES), dtype=jnp.float32) * 0.05
    gs = jnp.ones((IN_PLANES,), jnp.float32)
    bs = jnp.zeros((IN_PLANES,), jnp.float32)
    Ws2 = jax.random.normal(ks[3], (IN_PLANES, 1), dtype=jnp.float32) * 0.05
    bs2 = jnp.zeros((1,), jnp.float32)
    W2 = jax.random.normal(ks[4], (IN_PLANES, OUT_PLANES), dtype=jnp.float32) * 0.05
    g2 = jnp.ones((OUT_PLANES,), jnp.float32)
    b2 = jnp.zeros((OUT_PLANES,), jnp.float32)
    return {"p": p, "x": x, "o": o, "Ws1": Ws1, "gs": gs, "bs": bs, "Ws2": Ws2, "bs2": bs2, "W2": W2, "g2": g2, "b2": b2}


def reference(p, x, o, Ws1, gs, bs, Ws2, bs2, W2, g2, b2):
    # stride != 1 branch of SymmetricTransitionDownBlockPaperv3 (single batch, o=[N])
    idx = furthest_point_sampling(p, M)
    n_p = p[idx]
    knn_idx = knn_query(n_p, p, NSAMPLE)  # [M, k]
    # pointops.queryandgroup with use_xyz=True: concat(rel_xyz, neighbor feats)
    grouped_p = p[knn_idx] - n_p[:, None, :]          # [M, k, 3]
    grouped_x = x[knn_idx]                            # [M, k, C]
    x_knn = jnp.concatenate([grouped_p, grouped_x], axis=-1)
    flat = x_knn.reshape(M * NSAMPLE, 3 + IN_PLANES)
    # channel_shrinker: Linear -> BN -> ReLU -> Linear(->1)
    h = flat @ Ws1
    h = jax.nn.relu(batchnorm1d(h, gs, bs))
    s = (h @ Ws2 + bs2).reshape(M, NSAMPLE, 1)
    prob = jax.nn.softmax(s, axis=1)
    # linear2: Linear -> BN -> ReLU on all N points
    y = jax.nn.relu(batchnorm1d(x @ W2, g2, b2))      # [N, OUT]
    y_knn = y[knn_idx.reshape(-1)].reshape(M, NSAMPLE, OUT_PLANES)
    y_out = jnp.sum(y_knn * prob, axis=1)
    n_o = jnp.array([M], dtype=jnp.int32)
    return (n_p, y_out, n_o)

if __name__ == "__main__":
    import jax
    _d = setup_inputs()
    print(jax.jit(kernel)(*tuple(_d.values())))

</pallas_src>

<mosaic_0001>
#map = affine_map<(d0, d1) -> (0, 0)>
module attributes {stable_mosaic.version = 14 : i64} {
  func.func @_sc_gather_body(%arg0: i32, %arg1: i32, %arg2: memref<16384x256xf32, #tpu.memory_space<hbm>>, %arg3: memref<512x128xi32, #tpu.memory_space<hbm>>, %arg4: memref<65536x256xf32, #tpu.memory_space<hbm>>, %arg5: memref<128xi32, #tpu.memory_space<vmem>>, %arg6: memref<128x256xf32, #tpu.memory_space<vmem>>, %arg7: memref<!tpu.dma_semaphore, #tpu.memory_space<semaphore_mem>>) attributes {dimension_semantics = [#tpu.dimension_semantics<core_parallel>, #tpu.dimension_semantics<subcore_parallel>], iteration_bounds = array<i64: 2, 16>, scalar_prefetch = 0 : i64, scratch_operands = 3 : i64, tpu.core_type = #tpu.core_type<sc_vector_subcore>, window_params = [{transform_indices = #map}, {transform_indices = #map}, {transform_indices = #map}]} {
    %mul3A = arith.constant 2 : i32
    %mul3A_0 = arith.muli %arg1, %mul3A : i32
    %add3A = arith.addi %mul3A_0, %arg0 : i32
    %scan3A = arith.constant 0 : i32
    %scan3A_1 = arith.constant 0 : i32
    %scan3A_2 = arith.constant 16 : i32
    %scan3A_3 = arith.addi %scan3A_1, %scan3A_2 : i32
    %scan3A_4 = arith.constant 1 : i32
    scf.for %scan3A_6 = %scan3A_1 to %scan3A_3 step %scan3A_4  : i32 {
      %mul3A_7 = arith.constant 16 : i32
      %mul3A_8 = arith.muli %add3A, %mul3A_7 : i32
      %add3A_9 = arith.addi %mul3A_8, %scan3A_6 : i32
      "tpu.region"() ({
        %run_scoped3A = tpu.sem_alloc : memref<!tpu.dma_semaphore, #tpu.memory_space<semaphore_mem>>
        %dma_start3A_16 = arith.constant 0 : i32
        %dma_start3A_17 = tpu.memref_slice %arg3[%add3A_9, %dma_start3A_16] : memref<512x128xi32, #tpu.memory_space<hbm>> -> memref<1x128xi32, #tpu.memory_space<hbm>>
        %dma_start3A_18 = tpu.memref_squeeze %dma_start3A_17 : memref<1x128xi32, #tpu.memory_space<hbm>> -> memref<128xi32, #tpu.memory_space<hbm>>
        %dma_start3A_19 = arith.constant 0 : i32
        %dma_start3A_20 = tpu.memref_slice %arg3[%add3A_9, %dma_start3A_19] : memref<512x128xi32, #tpu.memory_space<hbm>> -> memref<1x128xi32, #tpu.memory_space<hbm>>
        %dma_start3A_21 = tpu.memref_squeeze %dma_start3A_20 : memref<1x128xi32, #tpu.memory_space<hbm>> -> memref<128xi32, #tpu.memory_space<hbm>>
        tpu.enqueue_dma source(%dma_start3A_21 : memref<128xi32, #tpu.memory_space<hbm>>) target(%arg5 : memref<128xi32, #tpu.memory_space<vmem>>) target_semaphore(%run_scoped3A : memref<!tpu.dma_semaphore, #tpu.memory_space<semaphore_mem>>)
        %dma_wait3A_22 = arith.constant 0 : i32
        %dma_wait3A_23 = tpu.memref_slice %arg3[%add3A_9, %dma_wait3A_22] : memref<512x128xi32, #tpu.memory_space<hbm>> -> memref<1x128xi32, #tpu.memory_space<hbm>>
        %dma_wait3A_24 = tpu.memref_squeeze %dma_wait3A_23 : memref<1x128xi32, #tpu.memory_space<hbm>> -> memref<128xi32, #tpu.memory_space<hbm>>
        %dma_wait3A_25 = arith.constant 0 : i32
        %dma_wait3A_26 = tpu.memref_slice %arg3[%add3A_9, %dma_wait3A_25] : memref<512x128xi32, #tpu.memory_space<hbm>> -> memref<1x128xi32, #tpu.memory_space<hbm>>
        %dma_wait3A_27 = tpu.memref_squeeze %dma_wait3A_26 : memref<1x128xi32, #tpu.memory_space<hbm>> -> memref<128xi32, #tpu.memory_space<hbm>>
        tpu.wait_dma2 semaphore(%run_scoped3A : memref<!tpu.dma_semaphore, #tpu.memory_space<semaphore_mem>>) src(%dma_wait3A_27 : memref<128xi32, #tpu.memory_space<hbm>>) dst(%arg5 : memref<128xi32, #tpu.memory_space<vmem>>)
        tpu.yield
      }) : () -> ()
      %dma_start3A = arith.constant 0 : i32
      %dma_start3A_10 = arith.constant 0 : i32
      %dma_start3A_11 = tpu.memref_slice %arg2[%dma_start3A, %dma_start3A_10] : memref<16384x256xf32, #tpu.memory_space<hbm>> -> memref<16384x256xf32, #tpu.memory_space<hbm>>
      tpu.enqueue_indirect_dma source(%dma_start3A_11 : memref<16384x256xf32, #tpu.memory_space<hbm>>) target(%arg6 : memref<128x256xf32, #tpu.memory_space<vmem>>) offsets(%arg5 : memref<128xi32, #tpu.memory_space<vmem>>) semaphore(%arg7 : memref<!tpu.dma_semaphore, #tpu.memory_space<semaphore_mem>>)
      %dma_wait3A = arith.constant 0 : i32
      %dma_wait3A_12 = arith.constant 0 : i32
      %dma_wait3A_13 = tpu.memref_slice %arg2[%dma_wait3A, %dma_wait3A_12] : memref<16384x256xf32, #tpu.memory_space<hbm>> -> memref<16384x256xf32, #tpu.memory_space<hbm>>
      tpu.wait_indirect_dma semaphore(%arg7 : memref<!tpu.dma_semaphore, #tpu.memory_space<semaphore_mem>>) src(%dma_wait3A_13 : memref<16384x256xf32, #tpu.memory_space<hbm>>) dst(%arg6 : memref<128x256xf32, #tpu.memory_space<vmem>>)
      %mul3A_14 = arith.constant 128 : i32
      %mul3A_15 = arith.muli %add3A_9, %mul3A_14 : i32
      "tpu.region"() ({
        %run_scoped3A = tpu.sem_alloc : memref<!tpu.dma_semaphore, #tpu.memory_space<semaphore_mem>>
        %dma_start3A_16 = arith.constant 0 : i32
        %dma_start3A_17 = tpu.memref_slice %arg4[%mul3A_15, %dma_start3A_16] : memref<65536x256xf32, #tpu.memory_space<hbm>> -> memref<128x256xf32, #tpu.memory_space<hbm>>
        %dma_start3A_18 = arith.constant 0 : i32
        %dma_start3A_19 = tpu.memref_slice %arg4[%mul3A_15, %dma_start3A_18] : memref<65536x256xf32, #tpu.memory_space<hbm>> -> memref<128x256xf32, #tpu.memory_space<hbm>>
        tpu.enqueue_dma source(%arg6 : memref<128x256xf32, #tpu.memory_space<vmem>>) target(%dma_start3A_19 : memref<128x256xf32, #tpu.memory_space<hbm>>) target_semaphore(%run_scoped3A : memref<!tpu.dma_semaphore, #tpu.memory_space<semaphore_mem>>)
        %dma_wait3A_20 = arith.constant 0 : i32
        %dma_wait3A_21 = tpu.memref_slice %arg4[%mul3A_15, %dma_wait3A_20] : memref<65536x256xf32, #tpu.memory_space<hbm>> -> memref<128x256xf32, #tpu.memory_space<hbm>>
        %dma_wait3A_22 = arith.constant 0 : i32
        %dma_wait3A_23 = tpu.memref_slice %arg4[%mul3A_15, %dma_wait3A_22] : memref<65536x256xf32, #tpu.memory_space<hbm>> -> memref<128x256xf32, #tpu.memory_space<hbm>>
        tpu.wait_dma2 semaphore(%run_scoped3A : memref<!tpu.dma_semaphore, #tpu.memory_space<semaphore_mem>>) src(%arg6 : memref<128x256xf32, #tpu.memory_space<vmem>>) dst(%dma_wait3A_23 : memref<128x256xf32, #tpu.memory_space<hbm>>)
        tpu.yield
      }) : () -> ()
    }
    %scan3A_5 = arith.constant 16 : i32
    return
  }
}

module attributes {stable_mosaic.version = 14 : i64} {
  func.func @_fps_body(%arg0: memref<128x128xf32, #tpu.memory_space<vmem>>, %arg1: memref<128x128xf32, #tpu.memory_space<vmem>>, %arg2: memref<128x128xf32, #tpu.memory_space<vmem>>, %arg3: memref<4096x1xf32, #tpu.memory_space<vmem>>, %arg4: memref<4096x1xf32, #tpu.memory_space<vmem>>, %arg5: memref<4096x1xf32, #tpu.memory_space<vmem>>, %arg6: memref<128x128xf32, #tpu.memory_space<vmem>>) attributes {dimension_semantics = [], scalar_prefetch = 0 : i64, scratch_operands = 1 : i64, tpu.core_type = #tpu.core_type<tc>} {
    %broadcast_in_dim3A = arith.constant 1.000000e+10 : f32
    %broadcast_in_dim3A_0 = vector.broadcast %broadcast_in_dim3A : f32 to vector<128x128xf32>
    %swap3A = arith.constant 0 : index
    %swap3A_1 = arith.constant 0 : index
    %swap3A_2 = vector.load %arg6[%swap3A, %swap3A_1] : memref<128x128xf32, #tpu.memory_space<vmem>>, vector<128x128xf32>
    tpu.vector_store %arg6[%swap3A, %swap3A_1], %broadcast_in_dim3A_0 {strides = array<i32>} : memref<128x128xf32, #tpu.memory_space<vmem>>, vector<128x128xf32>,
    %get3A = arith.constant 0 : index
    %get3A_3 = arith.constant 0 : index
    %get3A_4 = vector.load %arg0[%get3A, %get3A_3] : memref<128x128xf32, #tpu.memory_space<vmem>>, vector<1x1xf32>
    %swap3A_5 = arith.constant 0 : index
    %swap3A_6 = arith.constant 0 : index
    %swap3A_7 = vector.load %arg3[%swap3A_5, %swap3A_6] : memref<4096x1xf32, #tpu.memory_space<vmem>>, vector<1x1xf32>
    tpu.vector_store %arg3[%swap3A_5, %swap3A_6], %get3A_4 {strides = array<i32>} : memref<4096x1xf32, #tpu.memory_space<vmem>>, vector<1x1xf32>,
    %get3A_8 = arith.constant 0 : index
    %get3A_9 = arith.constant 0 : index
    %get3A_10 = vector.load %arg1[%get3A_8, %get3A_9] : memref<128x128xf32, #tpu.memory_space<vmem>>, vector<1x1xf32>
    %swap3A_11 = arith.constant 0 : index
    %swap3A_12 = arith.constant 0 : index
    %swap3A_13 = vector.load %arg4[%swap3A_11, %swap3A_12] : memref<4096x1xf32, #tpu.memory_space<vmem>>, vector<1x1xf32>
    tpu.vector_store %arg4[%swap3A_11, %swap3A_12], %get3A_10 {strides = array<i32>} : memref<4096x1xf32, #tpu.memory_space<vmem>>, vector<1x1xf32>,
    %get3A_14 = arith.constant 0 : index
    %get3A_15 = arith.constant 0 : index
    %get3A_16 = vector.load %arg2[%get3A_14, %get3A_15] : memref<128x128xf32, #tpu.memory_space<vmem>>, vector<1x1xf32>
    %swap3A_17 = arith.constant 0 : index
    %swap3A_18 = arith.constant 0 : index
    %swap3A_19 = vector.load %arg5[%swap3A_17, %swap3A_18] : memref<4096x1xf32, #tpu.memory_space<vmem>>, vector<1x1xf32>
    tpu.vector_store %arg5[%swap3A_17, %swap3A_18], %get3A_16 {strides = array<i32>} : memref<4096x1xf32, #tpu.memory_space<vmem>>, vector<1x1xf32>,
    %get3A_20 = arith.constant 0 : index
    %get3A_21 = arith.constant 0 : index
    %get3A_22 = vector.load %arg0[%get3A_20, %get3A_21] : memref<128x128xf32, #tpu.memory_space<vmem>>, vector<1x1xf32>
    %get3A_23 = vector.extract %get3A_22[0, 0] : f32 from vector<1x1xf32>
    %get3A_24 = arith.constant 0 : index
    %get3A_25 = arith.constant 0 : index
    %get3A_26 = vector.load %arg1[%get3A_24, %get3A_25] : memref<128x128xf32, #tpu.memory_space<vmem>>, vector<1x1xf32>
    %get3A_27 = vector.extract %get3A_26[0, 0] : f32 from vector<1x1xf32>
    %get3A_28 = arith.constant 0 : index
    %get3A_29 = arith.constant 0 : index
    %get3A_30 = vector.load %arg2[%get3A_28, %get3A_29] : memref<128x128xf32, #tpu.memory_space<vmem>>, vector<1x1xf32>
    %get3A_31 = vector.extract %get3A_30[0, 0] : f32 from vector<1x1xf32>
    %scan3A = arith.constant 1 : i32
    %scan3A_32 = arith.constant 4095 : i32
    %scan3A_33 = arith.addi %scan3A, %scan3A_32 : i32
    %scan3A_34 = arith.constant 1 : i32
    %scan3A_35:3 = scf.for %scan3A_37 = %scan3A to %scan3A_33 step %scan3A_34 iter_args(%scan3A_38 = %get3A_23, %scan3A_39 = %get3A_27, %scan3A_40 = %get3A_31) -> (f32, f32, f32)  : i32 {
      %get3A_41 = arith.constant 0 : index
      %get3A_42 = arith.constant 0 : index
      %get3A_43 = vector.load %arg0[%get3A_41, %get3A_42] : memref<128x128xf32, #tpu.memory_space<vmem>>, vector<128x128xf32>
      %get3A_44 = arith.constant 0 : index
      %get3A_45 = arith.constant 0 : index
      %get3A_46 = vector.load %arg1[%get3A_44, %get3A_45] : memref<128x128xf32, #tpu.memory_space<vmem>>, vector<128x128xf32>
      %get3A_47 = arith.constant 0 : index
      %get3A_48 = arith.constant 0 : index
      %get3A_49 = vector.load %arg2[%get3A_47, %get3A_48] : memref<128x128xf32, #tpu.memory_space<vmem>>, vector<128x128xf32>
      %sub3A = vector.broadcast %scan3A_38 : f32 to vector<128x128xf32>
      %sub3A_50 = arith.subf %get3A_43, %sub3A : vector<128x128xf32>
      %sub3A_51 = vector.broadcast %scan3A_39 : f32 to vector<128x128xf32>
      %sub3A_52 = arith.subf %get3A_46, %sub3A_51 : vector<128x128xf32>
      %sub3A_53 = vector.broadcast %scan3A_40 : f32 to vector<128x128xf32>
      %sub3A_54 = arith.subf %get3A_49, %sub3A_53 : vector<128x128xf32>
      %mul3A = arith.mulf %sub3A_50, %sub3A_50 : vector<128x128xf32>
      %mul3A_55 = arith.mulf %sub3A_54, %sub3A_54 : vector<128x128xf32>
      %add3A = arith.addf %mul3A, %mul3A_55 : vector<128x128xf32>
      %mul3A_56 = arith.mulf %sub3A_52, %sub3A_52 : vector<128x128xf32>
      %add3A_57 = arith.addf %add3A, %mul3A_56 : vector<128x128xf32>
      %get3A_58 = arith.constant 0 : index
      %get3A_59 = arith.constant 0 : index
      %get3A_60 = vector.load %arg6[%get3A_58, %get3A_59] : memref<128x128xf32, #tpu.memory_space<vmem>>, vector<128x128xf32>
      %min3A = arith.minimumf %get3A_60, %add3A_57 : vector<128x128xf32>
      %swap3A_61 = arith.constant 0 : index
      %swap3A_62 = arith.constant 0 : index
      %swap3A_63 = vector.load %arg6[%swap3A_61, %swap3A_62] : memref<128x128xf32, #tpu.memory_space<vmem>>, vector<128x128xf32>
      tpu.vector_store %arg6[%swap3A_61, %swap3A_62], %min3A {strides = array<i32>} : memref<128x128xf32, #tpu.memory_space<vmem>>, vector<128x128xf32>,
      %slice3A = vector.extract_strided_slice %min3A {offsets = [0, 0], sizes = [64, 128], strides = [1, 1]} : vector<128x128xf32> to vector<64x128xf32>
      %slice3A_64 = vector.extract_strided_slice %min3A {offsets = [64, 0], sizes = [64, 128], strides = [1, 1]} : vector<128x128xf32> to vector<64x128xf32>
      %ge3A = arith.cmpf oge, %slice3A, %slice3A_64 : vector<64x128xf32>
      %slice3A_65 = vector.extract_strided_slice %min3A {offsets = [0, 0], sizes = [64, 128], strides = [1, 1]} : vector<128x128xf32> to vector<64x128xf32>
      %slice3A_66 = vector.extract_strided_slice %min3A {offsets = [64, 0], sizes = [64, 128], strides = [1, 1]} : vector<128x128xf32> to vector<64x128xf32>
      %select_n3A = arith.select %ge3A, %slice3A_65, %slice3A_66 : vector<64x128xi1>, vector<64x128xf32>
      %slice3A_67 = vector.extract_strided_slice %get3A_43 {offsets = [0, 0], sizes = [64, 128], strides = [1, 1]} : vector<128x128xf32> to vector<64x128xf32>
      %slice3A_68 = vector.extract_strided_slice %get3A_43 {offsets = [64, 0], sizes = [64, 128], strides = [1, 1]} : vector<128x128xf32> to vector<64x128xf32>
      %select_n3A_69 = arith.select %ge3A, %slice3A_67, %slice3A_68 : vector<64x128xi1>, vector<64x128xf32>
      %slice3A_70 = vector.extract_strided_slice %get3A_46 {offsets = [0, 0], sizes = [64, 128], strides = [1, 1]} : vector<128x128xf32> to vector<64x128xf32>
      %slice3A_71 = vector.extract_strided_slice %get3A_46 {offsets = [64, 0], sizes = [64, 128], strides = [1, 1]} : vector<128x128xf32> to vector<64x128xf32>
      %select_n3A_72 = arith.select %ge3A, %slice3A_70, %slice3A_71 : vector<64x128xi1>, vector<64x128xf32>
      %slice3A_73 = vector.extract_strided_slice %get3A_49 {offsets = [0, 0], sizes = [64, 128], strides = [1, 1]} : vector<128x128xf32> to vector<64x128xf32>
      %slice3A_74 = vector.extract_strided_slice %get3A_49 {offsets = [64, 0], sizes = [64, 128], strides = [1, 1]} : vector<128x128xf32> to vector<64x128xf32>
      %select_n3A_75 = arith.select %ge3A, %slice3A_73, %slice3A_74 : vector<64x128xi1>, vector<64x128xf32>
      %slice3A_76 = vector.extract_strided_slice %select_n3A {offsets = [0, 0], sizes = [32, 128], strides = [1, 1]} : vector<64x128xf32> to vector<32x128xf32>
      %slice3A_77 = vector.extract_strided_slice %select_n3A {offsets = [32, 0], sizes = [32, 128], strides = [1, 1]} : vector<64x128xf32> to vector<32x128xf32>
      %ge3A_78 = arith.cmpf oge, %slice3A_76, %slice3A_77 : vector<32x128xf32>
      %slice3A_79 = vector.extract_strided_slice %select_n3A {offsets = [0, 0], sizes = [32, 128], strides = [1, 1]} : vector<64x128xf32> to vector<32x128xf32>
      %slice3A_80 = vector.extract_strided_slice %select_n3A {offsets = [32, 0], sizes = [32, 128], strides = [1, 1]} : vector<64x128xf32> to vector<32x128xf32>
      %select_n3A_81 = arith.select %ge3A_78, %slice3A_79, %slice3A_80 : vector<32x128xi1>, vector<32x128xf32>
      %slice3A_82 = vector.extract_strided_slice %select_n3A_69 {offsets = [0, 0], sizes = [32, 128], strides = [1, 1]} : vector<64x128xf32> to vector<32x128xf32>
      %slice3A_83 = vector.extract_strided_slice %select_n3A_69 {offsets = [32, 0], sizes = [32, 128], strides = [1, 1]} : vector<64x128xf32> to vector<32x128xf32>
      %select_n3A_84 = arith.select %ge3A_78, %slice3A_82, %slice3A_83 : vector<32x128xi1>, vector<32x128xf32>
      %slice3A_85 = vector.extract_strided_slice %select_n3A_72 {offsets = [0, 0], sizes = [32, 128], strides = [1, 1]} : vector<64x128xf32> to vector<32x128xf32>
      %slice3A_86 = vector.extract_strided_slice %select_n3A_72 {offsets = [32, 0], sizes = [32, 128], strides = [1, 1]} : vector<64x128xf32> to vector<32x128xf32>
      %select_n3A_87 = arith.select %ge3A_78, %slice3A_85, %slice3A_86 : vector<32x128xi1>, vector<32x128xf32>
      %slice3A_88 = vector.extract_strided_slice %select_n3A_75 {offsets = [0, 0], sizes = [32, 128], strides = [1, 1]} : vector<64x128xf32> to vector<32x128xf32>
      %slice3A_89 = vector.extract_strided_slice %select_n3A_75 {offsets = [32, 0], sizes = [32, 128], strides = [1, 1]} : vector<64x128xf32> to vector<32x128xf32>
      %select_n3A_90 = arith.select %ge3A_78, %slice3A_88, %slice3A_89 : vector<32x128xi1>, vector<32x128xf32>
      %slice3A_91 = vector.extract_strided_slice %select_n3A_81 {offsets = [0, 0], sizes = [16, 128], strides = [1, 1]} : vector<32x128xf32> to vector<16x128xf32>
      %slice3A_92 = vector.extract_strided_slice %select_n3A_81 {offsets = [16, 0], sizes = [16, 128], strides = [1, 1]} : vector<32x128xf32> to vector<16x128xf32>
      %ge3A_93 = arith.cmpf oge, %slice3A_91, %slice3A_92 : vector<16x128xf32>
      %slice3A_94 = vector.extract_strided_slice %select_n3A_81 {offsets = [0, 0], sizes = [16, 128], strides = [1, 1]} : vector<32x128xf32> to vector<16x128xf32>
      %slice3A_95 = vector.extract_strided_slice %select_n3A_81 {offsets = [16, 0], sizes = [16, 128], strides = [1, 1]} : vector<32x128xf32> to vector<16x128xf32>
      %select_n3A_96 = arith.select %ge3A_93, %slice3A_94, %slice3A_95 : vector<16x128xi1>, vector<16x128xf32>
      %slice3A_97 = vector.extract_strided_slice %select_n3A_84 {offsets = [0, 0], sizes = [16, 128], strides = [1, 1]} : vector<32x128xf32> to vector<16x128xf32>
      %slice3A_98 = vector.extract_strided_slice %select_n3A_84 {offsets = [16, 0], sizes = [16, 128], strides = [1, 1]} : vector<32x128xf32> to vector<16x128xf32>
      %select_n3A_99 = arith.select %ge3A_93, %slice3A_97, %slice3A_98 : vector<16x128xi1>, vector<16x128xf32>
      %slice3A_100 = vector.extract_strided_slice %select_n3A_87 {offsets = [0, 0], sizes = [16, 128], strides = [1, 1]} : vector<32x128xf32> to vector<16x128xf32>
      %slice3A_101 = vector.extract_strided_slice %select_n3A_87 {offsets = [16, 0], sizes = [16, 128], strides = [1, 1]} : vector<32x128xf32> to vector<16x128xf32>
      %select_n3A_102 = arith.select %ge3A_93, %slice3A_100, %slice3A_101 : vector<16x128xi1>, vector<16x128xf32>
      %slice3A_103 = vector.extract_strided_slice %select_n3A_90 {offsets = [0, 0], sizes = [16, 128], strides = [1, 1]} : vector<32x128xf32> to vector<16x128xf32>
      %slice3A_104 = vector.extract_strided_slice %select_n3A_90 {offsets = [16, 0], sizes = [16, 128], strides = [1, 1]} : vector<32x128xf32> to vector<16x128xf32>
      %select_n3A_105 = arith.select %ge3A_93, %slice3A_103, %slice3A_104 : vector<16x128xi1>, vector<16x128xf32>
      %slice3A_106 = vector.extract_strided_slice %select_n3A_96 {offsets = [0, 0], sizes = [8, 128], strides = [1, 1]} : vector<16x128xf32> to vector<8x128xf32>
      %slice3A_107 = vector.extract_strided_slice %select_n3A_96 {offsets = [8, 0], sizes = [8, 128], strides = [1, 1]} : vector<16x128xf32> to vector<8x128xf32>
      %ge3A_108 = arith.cmpf oge, %slice3A_106, %slice3A_107 : vector<8x128xf32>
      %slice3A_109 = vector.extract_strided_slice %select_n3A_96 {offsets = [0, 0], sizes = [8, 128], strides = [1, 1]} : vector<16x128xf32> to vector<8x128xf32>
      %slice3A_110 = vector.extract_strided_slice %select_n3A_96 {offsets = [8, 0], sizes = [8, 128], strides = [1, 1]} : vector<16x128xf32> to vector<8x128xf32>
      %select_n3A_111 = arith.select %ge3A_108, %slice3A_109, %slice3A_110 : vector<8x128xi1>, vector<8x128xf32>
      %slice3A_112 = vector.extract_strided_slice %select_n3A_99 {offsets = [0, 0], sizes = [8, 128], strides = [1, 1]} : vector<16x128xf32> to vector<8x128xf32>
      %slice3A_113 = vector.extract_strided_slice %select_n3A_99 {offsets = [8, 0], sizes = [8, 128], strides = [1, 1]} : vector<16x128xf32> to vector<8x128xf32>
      %select_n3A_114 = arith.select %ge3A_108, %slice3A_112, %slice3A_113 : vector<8x128xi1>, vector<8x128xf32>
      %slice3A_115 = vector.extract_strided_slice %select_n3A_102 {offsets = [0, 0], sizes = [8, 128], strides = [1, 1]} : vector<16x128xf32> to vector<8x128xf32>
      %slice3A_116 = vector.extract_strided_slice %select_n3A_102 {offsets = [8, 0], sizes = [8, 128], strides = [1, 1]} : vector<16x128xf32> to vector<8x128xf32>
      %select_n3A_117 = arith.select %ge3A_108, %slice3A_115, %slice3A_116 : vector<8x128xi1>, vector<8x128xf32>
      %slice3A_118 = vector.extract_strided_slice %select_n3A_105 {offsets = [0, 0], sizes = [8, 128], strides = [1, 1]} : vector<16x128xf32> to vector<8x128xf32>
      %slice3A_119 = vector.extract_strided_slice %select_n3A_105 {offsets = [8, 0], sizes = [8, 128], strides = [1, 1]} : vector<16x128xf32> to vector<8x128xf32>
      %select_n3A_120 = arith.select %ge3A_108, %slice3A_118, %slice3A_119 : vector<8x128xi1>, vector<8x128xf32>
      %slice3A_121 = vector.extract_strided_slice %select_n3A_111 {offsets = [0, 0], sizes = [4, 128], strides = [1, 1]} : vector<8x128xf32> to vector<4x128xf32>
      %slice3A_122 = vector.extract_strided_slice %select_n3A_111 {offsets = [4, 0], sizes = [4, 128], strides = [1, 1]} : vector<8x128xf32> to vector<4x128xf32>
      %ge3A_123 = arith.cmpf oge, %slice3A_121, %slice3A_122 : vector<4x128xf32>
      %slice3A_124 = vector.extract_strided_slice %select_n3A_111 {offsets = [0, 0], sizes = [4, 128], strides = [1, 1]} : vector<8x128xf32> to vector<4x128xf32>
      %slice3A_125 = vector.extract_strided_slice %select_n3A_111 {offsets = [4, 0], sizes = [4, 128], strides = [1, 1]} : vector<8x128xf32> to vector<4x128xf32>
      %select_n3A_126 = arith.select %ge3A_123, %slice3A_124, %slice3A_125 : vector<4x128xi1>, vector<4x128xf32>
      %slice3A_127 = vector.extract_strided_slice %select_n3A_114 {offsets = [0, 0], sizes = [4, 128], strides = [1, 1]} : vector<8x128xf32> to vector<4x128xf32>
      %slice3A_128 = vector.extract_strided_slice %select_n3A_114 {offsets = [4, 0], sizes = [4, 128], strides = [1, 1]} : vector<8x128xf32> to vector<4x128xf32>
      %select_n3A_129 = arith.select %ge3A_123, %slice3A_127, %slice3A_128 : vector<4x128xi1>, vector<4x128xf32>
      %slice3A_130 = vector.extract_strided_slice %select_n3A_117 {offsets = [0, 0], sizes = [4, 128], strides = [1, 1]} : vector<8x128xf32> to vector<4x128xf32>
      %slice3A_131 = vector.extract_strided_slice %select_n3A_117 {offsets = [4, 0], sizes = [4, 128], strides = [1, 1]} : vector<8x128xf32> to vector<4x128xf32>
      %select_n3A_132 = arith.select %ge3A_123, %slice3A_130, %slice3A_131 : vector<4x128xi1>, vector<4x128xf32>
      %slice3A_133 = vector.extract_strided_slice %select_n3A_120 {offsets = [0, 0], sizes = [4, 128], strides = [1, 1]} : vector<8x128xf32> to vector<4x128xf32>
      %slice3A_134 = vector.extract_strided_slice %select_n3A_120 {offsets = [4, 0], sizes = [4, 128], strides = [1, 1]} : vector<8x128xf32> to vector<4x128xf32>
      %select_n3A_135 = arith.select %ge3A_123, %slice3A_133, %slice3A_134 : vector<4x128xi1>, vector<4x128xf32>
      %slice3A_136 = vector.extract_strided_slice %select_n3A_126 {offsets = [0, 0], sizes = [2, 128], strides = [1, 1]} : vector<4x128xf32> to vector<2x128xf32>
      %slice3A_137 = vector.extract_strided_slice %select_n3A_126 {offsets = [2, 0], sizes = [2, 128], strides = [1, 1]} : vector<4x128xf32> to vector<2x128xf32>
      %ge3A_138 = arith.cmpf oge, %slice3A_136, %slice3A_137 : vector<2x128xf32>
      %slice3A_139 = vector.extract_strided_slice %select_n3A_126 {offsets = [0, 0], sizes = [2, 128], strides = [1, 1]} : vector<4x128xf32> to vector<2x128xf32>
      %slice3A_140 = vector.extract_strided_slice %select_n3A_126 {offsets = [2, 0], sizes = [2, 128], strides = [1, 1]} : vector<4x128xf32> to vector<2x128xf32>
      %select_n3A_141 = arith.select %ge3A_138, %slice3A_139, %slice3A_140 : vector<2x128xi1>, vector<2x128xf32>
      %slice3A_142 = vector.extract_strided_slice %select_n3A_129 {offsets = [0, 0], sizes = [2, 128], strides = [1, 1]} : vector<4x128xf32> to vector<2x128xf32>
      %slice3A_143 = vector.extract_strided_slice %select_n3A_129 {offsets = [2, 0], sizes = [2, 128], strides = [1, 1]} : vector<4x128xf32> to vector<2x128xf32>
      %select_n3A_144 = arith.select %ge3A_138, %slice3A_142, %slice3A_143 : vector<2x128xi1>, vector<2x128xf32>
      %slice3A_145 = vector.extract_strided_slice %select_n3A_132 {offsets = [0, 0], sizes = [2, 128], strides = [1, 1]} : vector<4x128xf32> to vector<2x128xf32>
      %slice3A_146 = vector.extract_strided_slice %select_n3A_132 {offsets = [2, 0], sizes = [2, 128], strides = [1, 1]} : vector<4x128xf32> to vector<2x128xf32>
      %select_n3A_147 = arith.select %ge3A_138, %slice3A_145, %slice3A_146 : vector<2x128xi1>, vector<2x128xf32>
      %slice3A_148 = vector.extract_strided_slice %select_n3A_135 {offsets = [0, 0], sizes = [2, 128], strides = [1, 1]} : vector<4x128xf32> to vector<2x128xf32>
      %slice3A_149 = vector.extract_strided_slice %select_n3A_135 {offsets = [2, 0], sizes = [2, 128], strides = [1, 1]} : vector<4x128xf32> to vector<2x128xf32>
      %select_n3A_150 = arith.select %ge3A_138, %slice3A_148, %slice3A_149 : vector<2x128xi1>, vector<2x128xf32>
      %slice3A_151 = vector.extract_strided_slice %select_n3A_141 {offsets = [0, 0], sizes = [1, 128], strides = [1, 1]} : vector<2x128xf32> to vector<1x128xf32>
      %slice3A_152 = vector.extract_strided_slice %select_n3A_141 {offsets = [1, 0], sizes = [1, 128], strides = [1, 1]} : vector<2x128xf32> to vector<1x128xf32>
      %ge3A_153 = arith.cmpf oge, %slice3A_151, %slice3A_152 : vector<1x128xf32>
      %slice3A_154 = vector.extract_strided_slice %select_n3A_141 {offsets = [0, 0], sizes = [1, 128], strides = [1, 1]} : vector<2x128xf32> to vector<1x128xf32>
      %slice3A_155 = vector.extract_strided_slice %select_n3A_141 {offsets = [1, 0], sizes = [1, 128], strides = [1, 1]} : vector<2x128xf32> to vector<1x128xf32>
      %select_n3A_156 = arith.select %ge3A_153, %slice3A_154, %slice3A_155 : vector<1x128xi1>, vector<1x128xf32>
      %slice3A_157 = vector.extract_strided_slice %select_n3A_144 {offsets = [0, 0], sizes = [1, 128], strides = [1, 1]} : vector<2x128xf32> to vector<1x128xf32>
      %slice3A_158 = vector.extract_strided_slice %select_n3A_144 {offsets = [1, 0], sizes = [1, 128], strides = [1, 1]} : vector<2x128xf32> to vector<1x128xf32>
      %select_n3A_159 = arith.select %ge3A_153, %slice3A_157, %slice3A_158 : vector<1x128xi1>, vector<1x128xf32>
      %slice3A_160 = vector.extract_strided_slice %select_n3A_147 {offsets = [0, 0], sizes = [1, 128], strides = [1, 1]} : vector<2x128xf32> to vector<1x128xf32>
      %slice3A_161 = vector.extract_strided_slice %select_n3A_147 {offsets = [1, 0], sizes = [1, 128], strides = [1, 1]} : vector<2x128xf32> to vector<1x128xf32>
      %select_n3A_162 = arith.select %ge3A_153, %slice3A_160, %slice3A_161 : vector<1x128xi1>, vector<1x128xf32>
      %slice3A_163 = vector.extract_strided_slice %select_n3A_150 {offsets = [0, 0], sizes = [1, 128], strides = [1, 1]} : vector<2x128xf32> to vector<1x128xf32>
      %slice3A_164 = vector.extract_strided_slice %select_n3A_150 {offsets = [1, 0], sizes = [1, 128], strides = [1, 1]} : vector<2x128xf32> to vector<1x128xf32>
      %select_n3A_165 = arith.select %ge3A_153, %slice3A_163, %slice3A_164 : vector<1x128xi1>, vector<1x128xf32>
      %transpose3A = tpu.transpose %select_n3A_156, [1, 0] : vector<1x128xf32> -> vector<128x1xf32>
      %transpose3A_166 = tpu.transpose %select_n3A_159, [1, 0] : vector<1x128xf32> -> vector<128x1xf32>
      %transpose3A_167 = tpu.transpose %select_n3A_162, [1, 0] : vector<1x128xf32> -> vector<128x1xf32>
      %transpose3A_168 = tpu.transpose %select_n3A_165, [1, 0] : vector<1x128xf32> -> vector<128x1xf32>
      %slice3A_169 = vector.extract_strided_slice %transpose3A {offsets = [0, 0], sizes = [64, 1], strides = [1, 1]} : vector<128x1xf32> to vector<64x1xf32>
      %slice3A_170 = vector.extract_strided_slice %transpose3A {offsets = [64, 0], sizes = [64, 1], strides = [1, 1]} : vector<128x1xf32> to vector<64x1xf32>
      %ge3A_171 = arith.cmpf oge, %slice3A_169, %slice3A_170 : vector<64x1xf32>
      %slice3A_172 = vector.extract_strided_slice %transpose3A {offsets = [0, 0], sizes = [64, 1], strides = [1, 1]} : vector<128x1xf32> to vector<64x1xf32>
      %slice3A_173 = vector.extract_strided_slice %transpose3A {offsets = [64, 0], sizes = [64, 1], strides = [1, 1]} : vector<128x1xf32> to vector<64x1xf32>
      %select_n3A_174 = arith.select %ge3A_171, %slice3A_172, %slice3A_173 : vector<64x1xi1>, vector<64x1xf32>
      %slice3A_175 = vector.extract_strided_slice %transpose3A_166 {offsets = [0, 0], sizes = [64, 1], strides = [1, 1]} : vector<128x1xf32> to vector<64x1xf32>
      %slice3A_176 = vector.extract_strided_slice %transpose3A_166 {offsets = [64, 0], sizes = [64, 1], strides = [1, 1]} : vector<128x1xf32> to vector<64x1xf32>
      %select_n3A_177 = arith.select %ge3A_171, %slice3A_175, %slice3A_176 : vector<64x1xi1>, vector<64x1xf32>
      %slice3A_178 = vector.extract_strided_slice %transpose3A_167 {offsets = [0, 0], sizes = [64, 1], strides = [1, 1]} : vector<128x1xf32> to vector<64x1xf32>
      %slice3A_179 = vector.extract_strided_slice %transpose3A_167 {offsets = [64, 0], sizes = [64, 1], strides = [1, 1]} : vector<128x1xf32> to vector<64x1xf32>
      %select_n3A_180 = arith.select %ge3A_171, %slice3A_178, %slice3A_179 : vector<64x1xi1>, vector<64x1xf32>
      %slice3A_181 = vector.extract_strided_slice %transpose3A_168 {offsets = [0, 0], sizes = [64, 1], strides = [1, 1]} : vector<128x1xf32> to vector<64x1xf32>
      %slice3A_182 = vector.extract_strided_slice %transpose3A_168 {offsets = [64, 0], sizes = [64, 1], strides = [1, 1]} : vector<128x1xf32> to vector<64x1xf32>
      %select_n3A_183 = arith.select %ge3A_171, %slice3A_181, %slice3A_182 : vector<64x1xi1>, vector<64x1xf32>
      %slice3A_184 = vector.extract_strided_slice %select_n3A_174 {offsets = [0, 0], sizes = [32, 1], strides = [1, 1]} : vector<64x1xf32> to vector<32x1xf32>
      %slice3A_185 = vector.extract_strided_slice %select_n3A_174 {offsets = [32, 0], sizes = [32, 1], strides = [1, 1]} : vector<64x1xf32> to vector<32x1xf32>
      %ge3A_186 = arith.cmpf oge, %slice3A_184, %slice3A_185 : vector<32x1xf32>
      %slice3A_187 = vector.extract_strided_slice %select_n3A_174 {offsets = [0, 0], sizes = [32, 1], strides = [1, 1]} : vector<64x1xf32> to vector<32x1xf32>
      %slice3A_188 = vector.extract_strided_slice %select_n3A_174 {offsets = [32, 0], sizes = [32, 1], strides = [1, 1]} : vector<64x1xf32> to vector<32x1xf32>
      %select_n3A_189 = arith.select %ge3A_186, %slice3A_187, %slice3A_188 : vector<32x1xi1>, vector<32x1xf32>
      %slice3A_190 = vector.extract_strided_slice %select_n3A_177 {offsets = [0, 0], sizes = [32, 1], strides = [1, 1]} : vector<64x1xf32> to vector<32x1xf32>
      %slice3A_191 = vector.extract_strided_slice %select_n3A_177 {offsets = [32, 0], sizes = [32, 1], strides = [1, 1]} : vector<64x1xf32> to vector<32x1xf32>
      %select_n3A_192 = arith.select %ge3A_186, %slice3A_190, %slice3A_191 : vector<32x1xi1>, vector<32x1xf32>
      %slice3A_193 = vector.extract_strided_slice %select_n3A_180 {offsets = [0, 0], sizes = [32, 1], strides = [1, 1]} : vector<64x1xf32> to vector<32x1xf32>
      %slice3A_194 = vector.extract_strided_slice %select_n3A_180 {offsets = [32, 0], sizes = [32, 1], strides = [1, 1]} : vector<64x1xf32> to vector<32x1xf32>
      %select_n3A_195 = arith.select %ge3A_186, %slice3A_193, %slice3A_194 : vector<32x1xi1>, vector<32x1xf32>
      %slice3A_196 = vector.extract_strided_slice %select_n3A_183 {offsets = [0, 0], sizes = [32, 1], strides = [1, 1]} : vector<64x1xf32> to vector<32x1xf32>
      %slice3A_197 = vector.extract_strided_slice %select_n3A_183 {offsets = [32, 0], sizes = [32, 1], strides = [1, 1]} : vector<64x1xf32> to vector<32x1xf32>
      %select_n3A_198 = arith.select %ge3A_186, %slice3A_196, %slice3A_197 : vector<32x1xi1>, vector<32x1xf32>
      %slice3A_199 = vector.extract_strided_slice %select_n3A_189 {offsets = [0, 0], sizes = [16, 1], strides = [1, 1]} : vector<32x1xf32> to vector<16x1xf32>
      %slice3A_200 = vector.extract_strided_slice %select_n3A_189 {offsets = [16, 0], sizes = [16, 1], strides = [1, 1]} : vector<32x1xf32> to vector<16x1xf32>
      %ge3A_201 = arith.cmpf oge, %slice3A_199, %slice3A_200 : vector<16x1xf32>
      %slice3A_202 = vector.extract_strided_slice %select_n3A_189 {offsets = [0, 0], sizes = [16, 1], strides = [1, 1]} : vector<32x1xf32> to vector<16x1xf32>
      %slice3A_203 = vector.extract_strided_slice %select_n3A_189 {offsets = [16, 0], sizes = [16, 1], strides = [1, 1]} : vector<32x1xf32> to vector<16x1xf32>
      %select_n3A_204 = arith.select %ge3A_201, %slice3A_202, %slice3A_203 : vector<16x1xi1>, vector<16x1xf32>
      %slice3A_205 = vector.extract_strided_slice %select_n3A_192 {offsets = [0, 0], sizes = [16, 1], strides = [1, 1]} : vector<32x1xf32> to vector<16x1xf32>
      %slice3A_206 = vector.extract_strided_slice %select_n3A_192 {offsets = [16, 0], sizes = [16, 1], strides = [1, 1]} : vector<32x1xf32> to vector<16x1xf32>
      %select_n3A_207 = arith.select %ge3A_201, %slice3A_205, %slice3A_206 : vector<16x1xi1>, vector<16x1xf32>
      %slice3A_208 = vector.extract_strided_slice %select_n3A_195 {offsets = [0, 0], sizes = [16, 1], strides = [1, 1]} : vector<32x1xf32> to vector<16x1xf32>
      %slice3A_209 = vector.extract_strided_slice %select_n3A_195 {offsets = [16, 0], sizes = [16, 1], strides = [1, 1]} : vector<32x1xf32> to vector<16x1xf32>
      %select_n3A_210 = arith.select %ge3A_201, %slice3A_208, %slice3A_209 : vector<16x1xi1>, vector<16x1xf32>
      %slice3A_211 = vector.extract_strided_slice %select_n3A_198 {offsets = [0, 0], sizes = [16, 1], strides = [1, 1]} : vector<32x1xf32> to vector<16x1xf32>
      %slice3A_212 = vector.extract_strided_slice %select_n3A_198 {offsets = [16, 0], sizes = [16, 1], strides = [1, 1]} : vector<32x1xf32> to vector<16x1xf32>
      %select_n3A_213 = arith.select %ge3A_201, %slice3A_211, %slice3A_212 : vector<16x1xi1>, vector<16x1xf32>
      %slice3A_214 = vector.extract_strided_slice %select_n3A_204 {offsets = [0, 0], sizes = [8, 1], strides = [1, 1]} : vector<16x1xf32> to vector<8x1xf32>
      %slice3A_215 = vector.extract_strided_slice %select_n3A_204 {offsets = [8, 0], sizes = [8, 1], strides = [1, 1]} : vector<16x1xf32> to vector<8x1xf32>
      %ge3A_216 = arith.cmpf oge, %slice3A_214, %slice3A_215 : vector<8x1xf32>
      %slice3A_217 = vector.extract_strided_slice %select_n3A_204 {offsets = [0, 0], sizes = [8, 1], strides = [1, 1]} : vector<16x1xf32> to vector<8x1xf32>
      %slice3A_218 = vector.extract_strided_slice %select_n3A_204 {offsets = [8, 0], sizes = [8, 1], strides = [1, 1]} : vector<16x1xf32> to vector<8x1xf32>
      %select_n3A_219 = arith.select %ge3A_216, %slice3A_217, %slice3A_218 : vector<8x1xi1>, vector<8x1xf32>
      %slice3A_220 = vector.extract_strided_slice %select_n3A_207 {offsets = [0, 0], sizes = [8, 1], strides = [1, 1]} : vector<16x1xf32> to vector<8x1xf32>
      %slice3A_221 = vector.extract_strided_slice %select_n3A_207 {offsets = [8, 0], sizes = [8, 1], strides = [1, 1]} : vector<16x1xf32> to vector<8x1xf32>
      %select_n3A_222 = arith.select %ge3A_216, %slice3A_220, %slice3A_221 : vector<8x1xi1>, vector<8x1xf32>
      %slice3A_223 = vector.extract_strided_slice %select_n3A_210 {offsets = [0, 0], sizes = [8, 1], strides = [1, 1]} : vector<16x1xf32> to vector<8x1xf32>
      %slice3A_224 = vector.extract_strided_slice %select_n3A_210 {offsets = [8, 0], sizes = [8, 1], strides = [1, 1]} : vector<16x1xf32> to vector<8x1xf32>
      %select_n3A_225 = arith.select %ge3A_216, %slice3A_223, %slice3A_224 : vector<8x1xi1>, vector<8x1xf32>
      %slice3A_226 = vector.extract_strided_slice %select_n3A_213 {offsets = [0, 0], sizes = [8, 1], strides = [1, 1]} : vector<16x1xf32> to vector<8x1xf32>
      %slice3A_227 = vector.extract_strided_slice %select_n3A_213 {offsets = [8, 0], sizes = [8, 1], strides = [1, 1]} : vector<16x1xf32> to vector<8x1xf32>
      %select_n3A_228 = arith.select %ge3A_216, %slice3A_226, %slice3A_227 : vector<8x1xi1>, vector<8x1xf32>
      %slice3A_229 = vector.extract_strided_slice %select_n3A_219 {offsets = [0, 0], sizes = [4, 1], strides = [1, 1]} : vector<8x1xf32> to vector<4x1xf32>
      %slice3A_230 = vector.extract_strided_slice %select_n3A_219 {offsets = [4, 0], sizes = [4, 1], strides = [1, 1]} : vector<8x1xf32> to vector<4x1xf32>
      %ge3A_231 = arith.cmpf oge, %slice3A_229, %slice3A_230 : vector<4x1xf32>
      %slice3A_232 = vector.extract_strided_slice %select_n3A_219 {offsets = [0, 0], sizes = [4, 1], strides = [1, 1]} : vector<8x1xf32> to vector<4x1xf32>
      %slice3A_233 = vector.extract_strided_slice %select_n3A_219 {offsets = [4, 0], sizes = [4, 1], strides = [1, 1]} : vector<8x1xf32> to vector<4x1xf32>
      %select_n3A_234 = arith.select %ge3A_231, %slice3A_232, %slice3A_233 : vector<4x1xi1>, vector<4x1xf32>
      %slice3A_235 = vector.extract_strided_slice %select_n3A_222 {offsets = [0, 0], sizes = [4, 1], strides = [1, 1]} : vector<8x1xf32> to vector<4x1xf32>
      %slice3A_236 = vector.extract_strided_slice %select_n3A_222 {offsets = [4, 0], sizes = [4, 1], strides = [1, 1]} : vector<8x1xf32> to vector<4x1xf32>
      %select_n3A_237 = arith.select %ge3A_231, %slice3A_235, %slice3A_236 : vector<4x1xi1>, vector<4x1xf32>
      %slice3A_238 = vector.extract_strided_slice %select_n3A_225 {offsets = [0, 0], sizes = [4, 1], strides = [1, 1]} : vector<8x1xf32> to vector<4x1xf32>
      %slice3A_239 = vector.extract_strided_slice %select_n3A_225 {offsets = [4, 0], sizes = [4, 1], strides = [1, 1]} : vector<8x1xf32> to vector<4x1xf32>
      %select_n3A_240 = arith.select %ge3A_231, %slice3A_238, %slice3A_239 : vector<4x1xi1>, vector<4x1xf32>
      %slice3A_241 = vector.extract_strided_slice %select_n3A_228 {offsets = [0, 0], sizes = [4, 1], strides = [1, 1]} : vector<8x1xf32> to vector<4x1xf32>
      %slice3A_242 = vector.extract_strided_slice %select_n3A_228 {offsets = [4, 0], sizes = [4, 1], strides = [1, 1]} : vector<8x1xf32> to vector<4x1xf32>
      %select_n3A_243 = arith.select %ge3A_231, %slice3A_241, %slice3A_242 : vector<4x1xi1>, vector<4x1xf32>
      %slice3A_244 = vector.extract_strided_slice %select_n3A_234 {offsets = [0, 0], sizes = [2, 1], strides = [1, 1]} : vector<4x1xf32> to vector<2x1xf32>
      %slice3A_245 = vector.extract_strided_slice %select_n3A_234 {offsets = [2, 0], sizes = [2, 1], strides = [1, 1]} : vector<4x1xf32> to vector<2x1xf32>
      %ge3A_246 = arith.cmpf oge, %slice3A_244, %slice3A_245 : vector<2x1xf32>
      %slice3A_247 = vector.extract_strided_slice %select_n3A_234 {offsets = [0, 0], sizes = [2, 1], strides = [1, 1]} : vector<4x1xf32> to vector<2x1xf32>
      %slice3A_248 = vector.extract_strided_slice %select_n3A_234 {offsets = [2, 0], sizes = [2, 1], strides = [1, 1]} : vector<4x1xf32> to vector<2x1xf32>
      %select_n3A_249 = arith.select %ge3A_246, %slice3A_247, %slice3A_248 : vector<2x1xi1>, vector<2x1xf32>
      %slice3A_250 = vector.extract_strided_slice %select_n3A_237 {offsets = [0, 0], sizes = [2, 1], strides = [1, 1]} : vector<4x1xf32> to vector<2x1xf32>
      %slice3A_251 = vector.extract_strided_slice %select_n3A_237 {offsets = [2, 0], sizes = [2, 1], strides = [1, 1]} : vector<4x1xf32> to vector<2x1xf32>
      %select_n3A_252 = arith.select %ge3A_246, %slice3A_250, %slice3A_251 : vector<2x1xi1>, vector<2x1xf32>
      %slice3A_253 = vector.extract_strided_slice %select_n3A_240 {offsets = [0, 0], sizes = [2, 1], strides = [1, 1]} : vector<4x1xf32> to vector<2x1xf32>
      %slice3A_254 = vector.extract_strided_slice %select_n3A_240 {offsets = [2, 0], sizes = [2, 1], strides = [1, 1]} : vector<4x1xf32> to vector<2x1xf32>
      %select_n3A_255 = arith.select %ge3A_246, %slice3A_253, %slice3A_254 : vector<2x1xi1>, vector<2x1xf32>
      %slice3A_256 = vector.extract_strided_slice %select_n3A_243 {offsets = [0, 0], sizes = [2, 1], strides = [1, 1]} : vector<4x1xf32> to vector<2x1xf32>
      %slice3A_257 = vector.extract_strided_slice %select_n3A_243 {offsets = [2, 0], sizes = [2, 1], strides = [1, 1]} : vector<4x1xf32> to vector<2x1xf32>
      %select_n3A_258 = arith.select %ge3A_246, %slice3A_256, %slice3A_257 : vector<2x1xi1>, vector<2x1xf32>
      %slice3A_259 = vector.extract_strided_slice %select_n3A_249 {offsets = [0, 0], sizes = [1, 1], strides = [1, 1]} : vector<2x1xf32> to vector<1x1xf32>
      %slice3A_260 = vector.extract_strided_slice %select_n3A_249 {offsets = [1, 0], sizes = [1, 1], strides = [1, 1]} : vector<2x1xf32> to vector<1x1xf32>
      %ge3A_261 = arith.cmpf oge, %slice3A_259, %slice3A_260 : vector<1x1xf32>
      %slice3A_262 = vector.extract_strided_slice %select_n3A_252 {offsets = [0, 0], sizes = [1, 1], strides = [1, 1]} : vector<2x1xf32> to vector<1x1xf32>
      %slice3A_263 = vector.extract_strided_slice %select_n3A_252 {offsets = [1, 0], sizes = [1, 1], strides = [1, 1]} : vector<2x1xf32> to vector<1x1xf32>
      %select_n3A_264 = arith.select %ge3A_261, %slice3A_262, %slice3A_263 : vector<1x1xi1>, vector<1x1xf32>
      %slice3A_265 = vector.extract_strided_slice %select_n3A_255 {offsets = [0, 0], sizes = [1, 1], strides = [1, 1]} : vector<2x1xf32> to vector<1x1xf32>
      %slice3A_266 = vector.extract_strided_slice %select_n3A_255 {offsets = [1, 0], sizes = [1, 1], strides = [1, 1]} : vector<2x1xf32> to vector<1x1xf32>
      %select_n3A_267 = arith.select %ge3A_261, %slice3A_265, %slice3A_266 : vector<1x1xi1>, vector<1x1xf32>
      %slice3A_268 = vector.extract_strided_slice %select_n3A_258 {offsets = [0, 0], sizes = [1, 1], strides = [1, 1]} : vector<2x1xf32> to vector<1x1xf32>
      %slice3A_269 = vector.extract_strided_slice %select_n3A_258 {offsets = [1, 0], sizes = [1, 1], strides = [1, 1]} : vector<2x1xf32> to vector<1x1xf32>
      %select_n3A_270 = arith.select %ge3A_261, %slice3A_268, %slice3A_269 : vector<1x1xi1>, vector<1x1xf32>
      %swap3A_271 = arith.index_cast %scan3A_37 : i32 to index
      %swap3A_272 = arith.constant 0 : index
      %swap3A_273 = vector.load %arg3[%swap3A_271, %swap3A_272] : memref<4096x1xf32, #tpu.memory_space<vmem>>, vector<1x1xf32>
      tpu.vector_store %arg3[%swap3A_271, %swap3A_272], %select_n3A_264 {strides = array<i32>} : memref<4096x1xf32, #tpu.memory_space<vmem>>, vector<1x1xf32>,
      %swap3A_274 = arith.index_cast %scan3A_37 : i32 to index
      %swap3A_275 = arith.constant 0 : index
      %swap3A_276 = vector.load %arg4[%swap3A_274, %swap3A_275] : memref<4096x1xf32, #tpu.memory_space<vmem>>, vector<1x1xf32>
      tpu.vector_store %arg4[%swap3A_274, %swap3A_275], %select_n3A_267 {strides = array<i32>} : memref<4096x1xf32, #tpu.memory_space<vmem>>, vector<1x1xf32>,
      %swap3A_277 = arith.index_cast %scan3A_37 : i32 to index
      %swap3A_278 = arith.constant 0 : index
      %swap3A_279 = vector.load %arg5[%swap3A_277, %swap3A_278] : memref<4096x1xf32, #tpu.memory_space<vmem>>, vector<1x1xf32>
      tpu.vector_store %arg5[%swap3A_277, %swap3A_278], %select_n3A_270 {strides = array<i32>} : memref<4096x1xf32, #tpu.memory_space<vmem>>, vector<1x1xf32>,
      %squeeze3A = vector.extract %select_n3A_264[0, 0] : f32 from vector<1x1xf32>
      %squeeze3A_280 = vector.extract %select_n3A_267[0, 0] : f32 from vector<1x1xf32>
      %squeeze3A_281 = vector.extract %select_n3A_270[0, 0] : f32 from vector<1x1xf32>
      scf.yield %squeeze3A, %squeeze3A_280, %squeeze3A_281 : f32, f32, f32
    }
    %scan3A_36 = arith.constant 4095 : i32
    return
  }
}

module attributes {stable_mosaic.version = 14 : i64} {
  func.func @_knn_body(%arg0: i32, %arg1: memref<1x16384xf32, #tpu.memory_space<vmem>>, %arg2: memref<1x16384xf32, #tpu.memory_space<vmem>>, %arg3: memref<1x16384xf32, #tpu.memory_space<vmem>>, %arg4: memref<128x1xf32, #tpu.memory_space<vmem>>, %arg5: memref<128x1xf32, #tpu.memory_space<vmem>>, %arg6: memref<128x1xf32, #tpu.memory_space<vmem>>, %arg7: memref<128x16xi32, #tpu.memory_space<vmem>>) attributes {dimension_semantics = [#tpu.dimension_semantics<arbitrary>], iteration_bounds = array<i64: 32>, scalar_prefetch = 0 : i64, scratch_operands = 0 : i64, tpu.core_type = #tpu.core_type<tc>, window_params = [{pipeline_mode = #tpu.pipeline_mode<synchronous>, transform_indices = @transform_0, window_bounds = array<i64: 1, 16384>}, {pipeline_mode = #tpu.pipeline_mode<synchronous>, transform_indices = @transform_1, window_bounds = array<i64: 1, 16384>}, {pipeline_mode = #tpu.pipeline_mode<synchronous>, transform_indices = @transform_2, window_bounds = array<i64: 1, 16384>}, {transform_indices = @transform_3, window_bounds = array<i64: 128, 1>}, {transform_indices = @transform_4, window_bounds = array<i64: 128, 1>}, {transform_indices = @transform_5, window_bounds = array<i64: 128, 1>}, {transform_indices = @transform_6, window_bounds = array<i64: 128, 16>}]} {
    %get3A = arith.constant 0 : index
    %get3A_0 = arith.constant 0 : index
    %get3A_1 = vector.load %arg1[%get3A, %get3A_0] : memref<1x16384xf32, #tpu.memory_space<vmem>>, vector<1x16384xf32>
    %get3A_2 = arith.constant 0 : index
    %get3A_3 = arith.constant 0 : index
    %get3A_4 = vector.load %arg2[%get3A_2, %get3A_3] : memref<1x16384xf32, #tpu.memory_space<vmem>>, vector<1x16384xf32>
    %get3A_5 = arith.constant 0 : index
    %get3A_6 = arith.constant 0 : index
    %get3A_7 = vector.load %arg3[%get3A_5, %get3A_6] : memref<1x16384xf32, #tpu.memory_space<vmem>>, vector<1x16384xf32>
    %get3A_8 = arith.constant 0 : index
    %get3A_9 = arith.constant 0 : index
    %get3A_10 = vector.load %arg4[%get3A_8, %get3A_9] : memref<128x1xf32, #tpu.memory_space<vmem>>, vector<128x1xf32>
    %sub3A = vector.broadcast %get3A_10 : vector<128x1xf32> to vector<128x16384xf32>
    %sub3A_11 = vector.broadcast %get3A_1 : vector<1x16384xf32> to vector<128x16384xf32>
    %sub3A_12 = arith.subf %sub3A, %sub3A_11 : vector<128x16384xf32>
    %get3A_13 = arith.constant 0 : index
    %get3A_14 = arith.constant 0 : index
    %get3A_15 = vector.load %arg5[%get3A_13, %get3A_14] : memref<128x1xf32, #tpu.memory_space<vmem>>, vector<128x1xf32>
    %sub3A_16 = vector.broadcast %get3A_15 : vector<128x1xf32> to vector<128x16384xf32>
    %sub3A_17 = vector.broadcast %get3A_4 : vector<1x16384xf32> to vector<128x16384xf32>
    %sub3A_18 = arith.subf %sub3A_16, %sub3A_17 : vector<128x16384xf32>
    %get3A_19 = arith.constant 0 : index
    %get3A_20 = arith.constant 0 : index
    %get3A_21 = vector.load %arg6[%get3A_19, %get3A_20] : memref<128x1xf32, #tpu.memory_space<vmem>>, vector<128x1xf32>
    %sub3A_22 = vector.broadcast %get3A_21 : vector<128x1xf32> to vector<128x16384xf32>
    %sub3A_23 = vector.broadcast %get3A_7 : vector<1x16384xf32> to vector<128x16384xf32>
    %sub3A_24 = arith.subf %sub3A_22, %sub3A_23 : vector<128x16384xf32>
    %mul3A = arith.mulf %sub3A_12, %sub3A_12 : vector<128x16384xf32>
    %mul3A_25 = arith.mulf %sub3A_18, %sub3A_18 : vector<128x16384xf32>
    %add3A = arith.addf %mul3A, %mul3A_25 : vector<128x16384xf32>
    %mul3A_26 = arith.mulf %sub3A_24, %sub3A_24 : vector<128x16384xf32>
    %add3A_27 = arith.addf %add3A, %mul3A_26 : vector<128x16384xf32>
    %iota3A = tpu.iota {dimensions = array<i32: 1>} : vector<128x16384xi32>
    %reduce_min3A = arith.constant dense<0x7F800000> : vector<128xf32>
    %reduce_min3A_28 = vector.multi_reduction <minimumf>, %add3A_27, %reduce_min3A [1] : vector<128x16384xf32> to vector<128xf32>
    %broadcast_in_dim3A = vector.shape_cast %reduce_min3A_28 : vector<128xf32> to vector<128x1xf32>
    %eq3A = vector.broadcast %broadcast_in_dim3A : vector<128x1xf32> to vector<128x16384xf32>
    %eq3A_29 = arith.cmpf oeq, %add3A_27, %eq3A : vector<128x16384xf32>
    %jit3A = arith.constant 16384 : i32
    %broadcast_in_dim3A_30 = vector.broadcast %jit3A : i32 to vector<128x16384xi32>
    %select_n3A = arith.select %eq3A_29, %iota3A, %broadcast_in_dim3A_30 : vector<128x16384xi1>, vector<128x16384xi32>
    %reduce_min3A_31 = arith.constant dense<2147483647> : vector<128xi32>
    %reduce_min3A_32 = vector.multi_reduction <minsi>, %select_n3A, %reduce_min3A_31 [1] : vector<128x16384xi32> to vector<128xi32>
    %broadcast_in_dim3A_33 = vector.shape_cast %reduce_min3A_32 : vector<128xi32> to vector<128x1xi32>
    %swap3A = arith.constant 0 : index
    %swap3A_34 = arith.constant 0 : index
    %swap3A_35 = vector.load %arg7[%swap3A, %swap3A_34] : memref<128x16xi32, #tpu.memory_space<vmem>>, vector<128x1xi32>
    tpu.vector_store %arg7[%swap3A, %swap3A_34], %broadcast_in_dim3A_33 {strides = array<i32>} : memref<128x16xi32, #tpu.memory_space<vmem>>, vector<128x1xi32>,
    %eq3A_36 = vector.broadcast %broadcast_in_dim3A_33 : vector<128x1xi32> to vector<128x16384xi32>
    %eq3A_37 = arith.cmpi eq, %iota3A, %eq3A_36 : vector<128x16384xi32>
    %jit3A_38 = arith.constant 0x7F800000 : f32
    %broadcast_in_dim3A_39 = vector.broadcast %jit3A_38 : f32 to vector<128x16384xf32>
    %select_n3A_40 = arith.select %eq3A_37, %broadcast_in_dim3A_39, %add3A_27 : vector<128x16384xi1>, vector<128x16384xf32>
    %reduce_min3A_41 = arith.constant dense<0x7F800000> : vector<128xf32>
    %reduce_min3A_42 = vector.multi_reduction <minimumf>, %select_n3A_40, %reduce_min3A_41 [1] : vector<128x16384xf32> to vector<128xf32>
    %broadcast_in_dim3A_43 = vector.shape_cast %reduce_min3A_42 : vector<128xf32> to vector<128x1xf32>
    %eq3A_44 = vector.broadcast %broadcast_in_dim3A_43 : vector<128x1xf32> to vector<128x16384xf32>
    %eq3A_45 = arith.cmpf oeq, %select_n3A_40, %eq3A_44 : vector<128x16384xf32>
    %jit3A_46 = arith.constant 16384 : i32
    %broadcast_in_dim3A_47 = vector.broadcast %jit3A_46 : i32 to vector<128x16384xi32>
    %select_n3A_48 = arith.select %eq3A_45, %iota3A, %broadcast_in_dim3A_47 : vector<128x16384xi1>, vector<128x16384xi32>
    %reduce_min3A_49 = arith.constant dense<2147483647> : vector<128xi32>
    %reduce_min3A_50 = vector.multi_reduction <minsi>, %select_n3A_48, %reduce_min3A_49 [1] : vector<128x16384xi32> to vector<128xi32>
    %broadcast_in_dim3A_51 = vector.shape_cast %reduce_min3A_50 : vector<128xi32> to vector<128x1xi32>
    %swap3A_52 = arith.constant 0 : index
    %swap3A_53 = arith.constant 1 : index
    %swap3A_54 = vector.load %arg7[%swap3A_52, %swap3A_53] : memref<128x16xi32, #tpu.memory_space<vmem>>, vector<128x1xi32>
    tpu.vector_store %arg7[%swap3A_52, %swap3A_53], %broadcast_in_dim3A_51 {strides = array<i32>} : memref<128x16xi32, #tpu.memory_space<vmem>>, vector<128x1xi32>,
    %eq3A_55 = vector.broadcast %broadcast_in_dim3A_51 : vector<128x1xi32> to vector<128x16384xi32>
    %eq3A_56 = arith.cmpi eq, %iota3A, %eq3A_55 : vector<128x16384xi32>
    %jit3A_57 = arith.constant 0x7F800000 : f32
    %broadcast_in_dim3A_58 = vector.broadcast %jit3A_57 : f32 to vector<128x16384xf32>
    %select_n3A_59 = arith.select %eq3A_56, %broadcast_in_dim3A_58, %select_n3A_40 : vector<128x16384xi1>, vector<128x16384xf32>
    %reduce_min3A_60 = arith.constant dense<0x7F800000> : vector<128xf32>
    %reduce_min3A_61 = vector.multi_reduction <minimumf>, %select_n3A_59, %reduce_min3A_60 [1] : vector<128x16384xf32> to vector<128xf32>
    %broadcast_in_dim3A_62 = vector.shape_cast %reduce_min3A_61 : vector<128xf32> to vector<128x1xf32>
    %eq3A_63 = vector.broadcast %broadcast_in_dim3A_62 : vector<128x1xf32> to vector<128x16384xf32>
    %eq3A_64 = arith.cmpf oeq, %select_n3A_59, %eq3A_63 : vector<128x16384xf32>
    %jit3A_65 = arith.constant 16384 : i32
    %broadcast_in_dim3A_66 = vector.broadcast %jit3A_65 : i32 to vector<128x16384xi32>
    %select_n3A_67 = arith.select %eq3A_64, %iota3A, %broadcast_in_dim3A_66 : vector<128x16384xi1>, vector<128x16384xi32>
    %reduce_min3A_68 = arith.constant dense<2147483647> : vector<128xi32>
    %reduce_min3A_69 = vector.multi_reduction <minsi>, %select_n3A_67, %reduce_min3A_68 [1] : vector<128x16384xi32> to vector<128xi32>
    %broadcast_in_dim3A_70 = vector.shape_cast %reduce_min3A_69 : vector<128xi32> to vector<128x1xi32>
    %swap3A_71 = arith.constant 0 : index
    %swap3A_72 = arith.constant 2 : index
    %swap3A_73 = vector.load %arg7[%swap3A_71, %swap3A_72] : memref<128x16xi32, #tpu.memory_space<vmem>>, vector<128x1xi32>
    tpu.vector_store %arg7[%swap3A_71, %swap3A_72], %broadcast_in_dim3A_70 {strides = array<i32>} : memref<128x16xi32, #tpu.memory_space<vmem>>, vector<128x1xi32>,
    %eq3A_74 = vector.broadcast %broadcast_in_dim3A_70 : vector<128x1xi32> to vector<128x16384xi32>
    %eq3A_75 = arith.cmpi eq, %iota3A, %eq3A_74 : vector<128x16384xi32>
    %jit3A_76 = arith.constant 0x7F800000 : f32
    %broadcast_in_dim3A_77 = vector.broadcast %jit3A_76 : f32 to vector<128x16384xf32>
    %select_n3A_78 = arith.select %eq3A_75, %broadcast_in_dim3A_77, %select_n3A_59 : vector<128x16384xi1>, vector<128x16384xf32>
    %reduce_min3A_79 = arith.constant dense<0x7F800000> : vector<128xf32>
    %reduce_min3A_80 = vector.multi_reduction <minimumf>, %select_n3A_78, %reduce_min3A_79 [1] : vector<128x16384xf32> to vector<128xf32>
    %broadcast_in_dim3A_81 = vector.shape_cast %reduce_min3A_80 : vector<128xf32> to vector<128x1xf32>
    %eq3A_82 = vector.broadcast %broadcast_in_dim3A_81 : vector<128x1xf32> to vector<128x16384xf32>
    %eq3A_83 = arith.cmpf oeq, %select_n3A_78, %eq3A_82 : vector<128x16384xf32>
    %jit3A_84 = arith.constant 16384 : i32
    %broadcast_in_dim3A_85 = vector.broadcast %jit3A_84 : i32 to vector<128x16384xi32>
    %select_n3A_86 = arith.select %eq3A_83, %iota3A, %broadcast_in_dim3A_85 : vector<128x16384xi1>, vector<128x16384xi32>
    %reduce_min3A_87 = arith.constant dense<2147483647> : vector<128xi32>
    %reduce_min3A_88 = vector.multi_reduction <minsi>, %select_n3A_86, %reduce_min3A_87 [1] : vector<128x16384xi32> to vector<128xi32>
    %broadcast_in_dim3A_89 = vector.shape_cast %reduce_min3A_88 : vector<128xi32> to vector<128x1xi32>
    %swap3A_90 = arith.constant 0 : index
    %swap3A_91 = arith.constant 3 : index
    %swap3A_92 = vector.load %arg7[%swap3A_90, %swap3A_91] : memref<128x16xi32, #tpu.memory_space<vmem>>, vector<128x1xi32>
    tpu.vector_store %arg7[%swap3A_90, %swap3A_91], %broadcast_in_dim3A_89 {strides = array<i32>} : memref<128x16xi32, #tpu.memory_space<vmem>>, vector<128x1xi32>,
    %eq3A_93 = vector.broadcast %broadcast_in_dim3A_89 : vector<128x1xi32> to vector<128x16384xi32>
    %eq3A_94 = arith.cmpi eq, %iota3A, %eq3A_93 : vector<128x16384xi32>
    %jit3A_95 = arith.constant 0x7F800000 : f32
    %broadcast_in_dim3A_96 = vector.broadcast %jit3A_95 : f32 to vector<128x16384xf32>
    %select_n3A_97 = arith.select %eq3A_94, %broadcast_in_dim3A_96, %select_n3A_78 : vector<128x16384xi1>, vector<128x16384xf32>
    %reduce_min3A_98 = arith.constant dense<0x7F800000> : vector<128xf32>
    %reduce_min3A_99 = vector.multi_reduction <minimumf>, %select_n3A_97, %reduce_min3A_98 [1] : vector<128x16384xf32> to vector<128xf32>
    %broadcast_in_dim3A_100 = vector.shape_cast %reduce_min3A_99 : vector<128xf32> to vector<128x1xf32>
    %eq3A_101 = vector.broadcast %broadcast_in_dim3A_100 : vector<128x1xf32> to vector<128x16384xf32>
    %eq3A_102 = arith.cmpf oeq, %select_n3A_97, %eq3A_101 : vector<128x16384xf32>
    %jit3A_103 = arith.constant 16384 : i32
    %broadcast_in_dim3A_104 = vector.broadcast %jit3A_103 : i32 to vector<128x16384xi32>
    %select_n3A_105 = arith.select %eq3A_102, %iota3A, %broadcast_in_dim3A_104 : vector<128x16384xi1>, vector<128x16384xi32>
    %reduce_min3A_106 = arith.constant dense<2147483647> : vector<128xi32>
    %reduce_min3A_107 = vector.multi_reduction <minsi>, %select_n3A_105, %reduce_min3A_106 [1] : vector<128x16384xi32> to vector<128xi32>
    %broadcast_in_dim3A_108 = vector.shape_cast %reduce_min3A_107 : vector<128xi32> to vector<128x1xi32>
    %swap3A_109 = arith.constant 0 : index
    %swap3A_110 = arith.constant 4 : index
    %swap3A_111 = vector.load %arg7[%swap3A_109, %swap3A_110] : memref<128x16xi32, #tpu.memory_space<vmem>>, vector<128x1xi32>
    tpu.vector_store %arg7[%swap3A_109, %swap3A_110], %broadcast_in_dim3A_108 {strides = array<i32>} : memref<128x16xi32, #tpu.memory_space<vmem>>, vector<128x1xi32>,
    %eq3A_112 = vector.broadcast %broadcast_in_dim3A_108 : vector<128x1xi32> to vector<128x16384xi32>
    %eq3A_113 = arith.cmpi eq, %iota3A, %eq3A_112 : vector<128x16384xi32>
    %jit3A_114 = arith.constant 0x7F800000 : f32
    %broadcast_in_dim3A_115 = vector.broadcast %jit3A_114 : f32 to vector<128x16384xf32>
    %select_n3A_116 = arith.select %eq3A_113, %broadcast_in_dim3A_115, %select_n3A_97 : vector<128x16384xi1>, vector<128x16384xf32>
    %reduce_min3A_117 = arith.constant dense<0x7F800000> : vector<128xf32>
    %reduce_min3A_118 = vector.multi_reduction <minimumf>, %select_n3A_116, %reduce_min3A_117 [1] : vector<128x16384xf32> to vector<128xf32>
    %broadcast_in_dim3A_119 = vector.shape_cast %reduce_min3A_118 : vector<128xf32> to vector<128x1xf32>
    %eq3A_120 = vector.broadcast %broadcast_in_dim3A_119 : vector<128x1xf32> to vector<128x16384xf32>
    %eq3A_121 = arith.cmpf oeq, %select_n3A_116, %eq3A_120 : vector<128x16384xf32>
    %jit3A_122 = arith.constant 16384 : i32
    %broadcast_in_dim3A_123 = vector.broadcast %jit3A_122 : i32 to vector<128x16384xi32>
    %select_n3A_124 = arith.select %eq3A_121, %iota3A, %broadcast_in_dim3A_123 : vector<128x16384xi1>, vector<128x16384xi32>
    %reduce_min3A_125 = arith.constant dense<2147483647> : vector<128xi32>
    %reduce_min3A_126 = vector.multi_reduction <minsi>, %select_n3A_124, %reduce_min3A_125 [1] : vector<128x16384xi32> to vector<128xi32>
    %broadcast_in_dim3A_127 = vector.shape_cast %reduce_min3A_126 : vector<128xi32> to vector<128x1xi32>
    %swap3A_128 = arith.constant 0 : index
    %swap3A_129 = arith.constant 5 : index
    %swap3A_130 = vector.load %arg7[%swap3A_128, %swap3A_129] : memref<128x16xi32, #tpu.memory_space<vmem>>, vector<128x1xi32>
    tpu.vector_store %arg7[%swap3A_128, %swap3A_129], %broadcast_in_dim3A_127 {strides = array<i32>} : memref<128x16xi32, #tpu.memory_space<vmem>>, vector<128x1xi32>,
    %eq3A_131 = vector.broadcast %broadcast_in_dim3A_127 : vector<128x1xi32> to vector<128x16384xi32>
    %eq3A_132 = arith.cmpi eq, %iota3A, %eq3A_131 : vector<128x16384xi32>
    %jit3A_133 = arith.constant 0x7F800000 : f32
    %broadcast_in_dim3A_134 = vector.broadcast %jit3A_133 : f32 to vector<128x16384xf32>
    %select_n3A_135 = arith.select %eq3A_132, %broadcast_in_dim3A_134, %select_n3A_116 : vector<128x16384xi1>, vector<128x16384xf32>
    %reduce_min3A_136 = arith.constant dense<0x7F800000> : vector<128xf32>
    %reduce_min3A_137 = vector.multi_reduction <minimumf>, %select_n3A_135, %reduce_min3A_136 [1] : vector<128x16384xf32> to vector<128xf32>
    %broadcast_in_dim3A_138 = vector.shape_cast %reduce_min3A_137 : vector<128xf32> to vector<128x1xf32>
    %eq3A_139 = vector.broadcast %broadcast_in_dim3A_138 : vector<128x1xf32> to vector<128x16384xf32>
    %eq3A_140 = arith.cmpf oeq, %select_n3A_135, %eq3A_139 : vector<128x16384xf32>
    %jit3A_141 = arith.constant 16384 : i32
    %broadcast_in_dim3A_142 = vector.broadcast %jit3A_141 : i32 to vector<128x16384xi32>
    %select_n3A_143 = arith.select %eq3A_140, %iota3A, %broadcast_in_dim3A_142 : vector<128x16384xi1>, vector<128x16384xi32>
    %reduce_min3A_144 = arith.constant dense<2147483647> : vector<128xi32>
    %reduce_min3A_145 = vector.multi_reduction <minsi>, %select_n3A_143, %reduce_min3A_144 [1] : vector<128x16384xi32> to vector<128xi32>
    %broadcast_in_dim3A_146 = vector.shape_cast %reduce_min3A_145 : vector<128xi32> to vector<128x1xi32>
    %swap3A_147 = arith.constant 0 : index
    %swap3A_148 = arith.constant 6 : index
    %swap3A_149 = vector.load %arg7[%swap3A_147, %swap3A_148] : memref<128x16xi32, #tpu.memory_space<vmem>>, vector<128x1xi32>
    tpu.vector_store %arg7[%swap3A_147, %swap3A_148], %broadcast_in_dim3A_146 {strides = array<i32>} : memref<128x16xi32, #tpu.memory_space<vmem>>, vector<128x1xi32>,
    %eq3A_150 = vector.broadcast %broadcast_in_dim3A_146 : vector<128x1xi32> to vector<128x16384xi32>
    %eq3A_151 = arith.cmpi eq, %iota3A, %eq3A_150 : vector<128x16384xi32>
    %jit3A_152 = arith.constant 0x7F800000 : f32
    %broadcast_in_dim3A_153 = vector.broadcast %jit3A_152 : f32 to vector<128x16384xf32>
    %select_n3A_154 = arith.select %eq3A_151, %broadcast_in_dim3A_153, %select_n3A_135 : vector<128x16384xi1>, vector<128x16384xf32>
    %reduce_min3A_155 = arith.constant dense<0x7F800000> : vector<128xf32>
    %reduce_min3A_156 = vector.multi_reduction <minimumf>, %select_n3A_154, %reduce_min3A_155 [1] : vector<128x16384xf32> to vector<128xf32>
    %broadcast_in_dim3A_157 = vector.shape_cast %reduce_min3A_156 : vector<128xf32> to vector<128x1xf32>
    %eq3A_158 = vector.broadcast %broadcast_in_dim3A_157 : vector<128x1xf32> to vector<128x16384xf32>
    %eq3A_159 = arith.cmpf oeq, %select_n3A_154, %eq3A_158 : vector<128x16384xf32>
    %jit3A_160 = arith.constant 16384 : i32
    %broadcast_in_dim3A_161 = vector.broadcast %jit3A_160 : i32 to vector<128x16384xi32>
    %select_n3A_162 = arith.select %eq3A_159, %iota3A, %broadcast_in_dim3A_161 : vector<128x16384xi1>, vector<128x16384xi32>
    %reduce_min3A_163 = arith.constant dense<2147483647> : vector<128xi32>
    %reduce_min3A_164 = vector.multi_reduction <minsi>, %select_n3A_162, %reduce_min3A_163 [1] : vector<128x16384xi32> to vector<128xi32>
    %broadcast_in_dim3A_165 = vector.shape_cast %reduce_min3A_164 : vector<128xi32> to vector<128x1xi32>
    %swap3A_166 = arith.constant 0 : index
    %swap3A_167 = arith.constant 7 : index
    %swap3A_168 = vector.load %arg7[%swap3A_166, %swap3A_167] : memref<128x16xi32, #tpu.memory_space<vmem>>, vector<128x1xi32>
    tpu.vector_store %arg7[%swap3A_166, %swap3A_167], %broadcast_in_dim3A_165 {strides = array<i32>} : memref<128x16xi32, #tpu.memory_space<vmem>>, vector<128x1xi32>,
    %eq3A_169 = vector.broadcast %broadcast_in_dim3A_165 : vector<128x1xi32> to vector<128x16384xi32>
    %eq3A_170 = arith.cmpi eq, %iota3A, %eq3A_169 : vector<128x16384xi32>
    %jit3A_171 = arith.constant 0x7F800000 : f32
    %broadcast_in_dim3A_172 = vector.broadcast %jit3A_171 : f32 to vector<128x16384xf32>
    %select_n3A_173 = arith.select %eq3A_170, %broadcast_in_dim3A_172, %select_n3A_154 : vector<128x16384xi1>, vector<128x16384xf32>
    %reduce_min3A_174 = arith.constant dense<0x7F800000> : vector<128xf32>
    %reduce_min3A_175 = vector.multi_reduction <minimumf>, %select_n3A_173, %reduce_min3A_174 [1] : vector<128x16384xf32> to vector<128xf32>
    %broadcast_in_dim3A_176 = vector.shape_cast %reduce_min3A_175 : vector<128xf32> to vector<128x1xf32>
    %eq3A_177 = vector.broadcast %broadcast_in_dim3A_176 : vector<128x1xf32> to vector<128x16384xf32>
    %eq3A_178 = arith.cmpf oeq, %select_n3A_173, %eq3A_177 : vector<128x16384xf32>
    %jit3A_179 = arith.constant 16384 : i32
    %broadcast_in_dim3A_180 = vector.broadcast %jit3A_179 : i32 to vector<128x16384xi32>
    %select_n3A_181 = arith.select %eq3A_178, %iota3A, %broadcast_in_dim3A_180 : vector<128x16384xi1>, vector<128x16384xi32>
    %reduce_min3A_182 = arith.constant dense<2147483647> : vector<128xi32>
    %reduce_min3A_183 = vector.multi_reduction <minsi>, %select_n3A_181, %reduce_min3A_182 [1] : vector<128x16384xi32> to vector<128xi32>
    %broadcast_in_dim3A_184 = vector.shape_cast %reduce_min3A_183 : vector<128xi32> to vector<128x1xi32>
    %swap3A_185 = arith.constant 0 : index
    %swap3A_186 = arith.constant 8 : index
    %swap3A_187 = vector.load %arg7[%swap3A_185, %swap3A_186] : memref<128x16xi32, #tpu.memory_space<vmem>>, vector<128x1xi32>
    tpu.vector_store %arg7[%swap3A_185, %swap3A_186], %broadcast_in_dim3A_184 {strides = array<i32>} : memref<128x16xi32, #tpu.memory_space<vmem>>, vector<128x1xi32>,
    %eq3A_188 = vector.broadcast %broadcast_in_dim3A_184 : vector<128x1xi32> to vector<128x16384xi32>
    %eq3A_189 = arith.cmpi eq, %iota3A, %eq3A_188 : vector<128x16384xi32>
    %jit3A_190 = arith.constant 0x7F800000 : f32
    %broadcast_in_dim3A_191 = vector.broadcast %jit3A_190 : f32 to vector<128x16384xf32>
    %select_n3A_192 = arith.select %eq3A_189, %broadcast_in_dim3A_191, %select_n3A_173 : vector<128x16384xi1>, vector<128x16384xf32>
    %reduce_min3A_193 = arith.constant dense<0x7F800000> : vector<128xf32>
    %reduce_min3A_194 = vector.multi_reduction <minimumf>, %select_n3A_192, %reduce_min3A_193 [1] : vector<128x16384xf32> to vector<128xf32>
    %broadcast_in_dim3A_195 = vector.shape_cast %reduce_min3A_194 : vector<128xf32> to vector<128x1xf32>
    %eq3A_196 = vector.broadcast %broadcast_in_dim3A_195 : vector<128x1xf32> to vector<128x16384xf32>
    %eq3A_197 = arith.cmpf oeq, %select_n3A_192, %eq3A_196 : vector<128x16384xf32>
    %jit3A_198 = arith.constant 16384 : i32
    %broadcast_in_dim3A_199 = vector.broadcast %jit3A_198 : i32 to vector<128x16384xi32>
    %select_n3A_200 = arith.select %eq3A_197, %iota3A, %broadcast_in_dim3A_199 : vector<128x16384xi1>, vector<128x16384xi32>
    %reduce_min3A_201 = arith.constant dense<2147483647> : vector<128xi32>
    %reduce_min3A_202 = vector.multi_reduction <minsi>, %select_n3A_200, %reduce_min3A_201 [1] : vector<128x16384xi32> to vector<128xi32>
    %broadcast_in_dim3A_203 = vector.shape_cast %reduce_min3A_202 : vector<128xi32> to vector<128x1xi32>
    %swap3A_204 = arith.constant 0 : index
    %swap3A_205 = arith.constant 9 : index
    %swap3A_206 = vector.load %arg7[%swap3A_204, %swap3A_205] : memref<128x16xi32, #tpu.memory_space<vmem>>, vector<128x1xi32>
    tpu.vector_store %arg7[%swap3A_204, %swap3A_205], %broadcast_in_dim3A_203 {strides = array<i32>} : memref<128x16xi32, #tpu.memory_space<vmem>>, vector<128x1xi32>,
    %eq3A_207 = vector.broadcast %broadcast_in_dim3A_203 : vector<128x1xi32> to vector<128x16384xi32>
    %eq3A_208 = arith.cmpi eq, %iota3A, %eq3A_207 : vector<128x16384xi32>
    %jit3A_209 = arith.constant 0x7F800000 : f32
    %broadcast_in_dim3A_210 = vector.broadcast %jit3A_209 : f32 to vector<128x16384xf32>
    %select_n3A_211 = arith.select %eq3A_208, %broadcast_in_dim3A_210, %select_n3A_192 : vector<128x16384xi1>, vector<128x16384xf32>
    %reduce_min3A_212 = arith.constant dense<0x7F800000> : vector<128xf32>
    %reduce_min3A_213 = vector.multi_reduction <minimumf>, %select_n3A_211, %reduce_min3A_212 [1] : vector<128x16384xf32> to vector<128xf32>
    %broadcast_in_dim3A_214 = vector.shape_cast %reduce_min3A_213 : vector<128xf32> to vector<128x1xf32>
    %eq3A_215 = vector.broadcast %broadcast_in_dim3A_214 : vector<128x1xf32> to vector<128x16384xf32>
    %eq3A_216 = arith.cmpf oeq, %select_n3A_211, %eq3A_215 : vector<128x16384xf32>
    %jit3A_217 = arith.constant 16384 : i32
    %broadcast_in_dim3A_218 = vector.broadcast %jit3A_217 : i32 to vector<128x16384xi32>
    %select_n3A_219 = arith.select %eq3A_216, %iota3A, %broadcast_in_dim3A_218 : vector<128x16384xi1>, vector<128x16384xi32>
    %reduce_min3A_220 = arith.constant dense<2147483647> : vector<128xi32>
    %reduce_min3A_221 = vector.multi_reduction <minsi>, %select_n3A_219, %reduce_min3A_220 [1] : vector<128x16384xi32> to vector<128xi32>
    %broadcast_in_dim3A_222 = vector.shape_cast %reduce_min3A_221 : vector<128xi32> to vector<128x1xi32>
    %swap3A_223 = arith.constant 0 : index
    %swap3A_224 = arith.constant 10 : index
    %swap3A_225 = vector.load %arg7[%swap3A_223, %swap3A_224] : memref<128x16xi32, #tpu.memory_space<vmem>>, vector<128x1xi32>
    tpu.vector_store %arg7[%swap3A_223, %swap3A_224], %broadcast_in_dim3A_222 {strides = array<i32>} : memref<128x16xi32, #tpu.memory_space<vmem>>, vector<128x1xi32>,
    %eq3A_226 = vector.broadcast %broadcast_in_dim3A_222 : vector<128x1xi32> to vector<128x16384xi32>
    %eq3A_227 = arith.cmpi eq, %iota3A, %eq3A_226 : vector<128x16384xi32>
    %jit3A_228 = arith.constant 0x7F800000 : f32
    %broadcast_in_dim3A_229 = vector.broadcast %jit3A_228 : f32 to vector<128x16384xf32>
    %select_n3A_230 = arith.select %eq3A_227, %broadcast_in_dim3A_229, %select_n3A_211 : vector<128x16384xi1>, vector<128x16384xf32>
    %reduce_min3A_231 = arith.constant dense<0x7F800000> : vector<128xf32>
    %reduce_min3A_232 = vector.multi_reduction <minimumf>, %select_n3A_230, %reduce_min3A_231 [1] : vector<128x16384xf32> to vector<128xf32>
    %broadcast_in_dim3A_233 = vector.shape_cast %reduce_min3A_232 : vector<128xf32> to vector<128x1xf32>
    %eq3A_234 = vector.broadcast %broadcast_in_dim3A_233 : vector<128x1xf32> to vector<128x16384xf32>
    %eq3A_235 = arith.cmpf oeq, %select_n3A_230, %eq3A_234 : vector<128x16384xf32>
    %jit3A_236 = arith.constant 16384 : i32
    %broadcast_in_dim3A_237 = vector.broadcast %jit3A_236 : i32 to vector<128x16384xi32>
    %select_n3A_238 = arith.select %eq3A_235, %iota3A, %broadcast_in_dim3A_237 : vector<128x16384xi1>, vector<128x16384xi32>
    %reduce_min3A_239 = arith.constant dense<2147483647> : vector<128xi32>
    %reduce_min3A_240 = vector.multi_reduction <minsi>, %select_n3A_238, %reduce_min3A_239 [1] : vector<128x16384xi32> to vector<128xi32>
    %broadcast_in_dim3A_241 = vector.shape_cast %reduce_min3A_240 : vector<128xi32> to vector<128x1xi32>
    %swap3A_242 = arith.constant 0 : index
    %swap3A_243 = arith.constant 11 : index
    %swap3A_244 = vector.load %arg7[%swap3A_242, %swap3A_243] : memref<128x16xi32, #tpu.memory_space<vmem>>, vector<128x1xi32>
    tpu.vector_store %arg7[%swap3A_242, %swap3A_243], %broadcast_in_dim3A_241 {strides = array<i32>} : memref<128x16xi32, #tpu.memory_space<vmem>>, vector<128x1xi32>,
    %eq3A_245 = vector.broadcast %broadcast_in_dim3A_241 : vector<128x1xi32> to vector<128x16384xi32>
    %eq3A_246 = arith.cmpi eq, %iota3A, %eq3A_245 : vector<128x16384xi32>
    %jit3A_247 = arith.constant 0x7F800000 : f32
    %broadcast_in_dim3A_248 = vector.broadcast %jit3A_247 : f32 to vector<128x16384xf32>
    %select_n3A_249 = arith.select %eq3A_246, %broadcast_in_dim3A_248, %select_n3A_230 : vector<128x16384xi1>, vector<128x16384xf32>
    %reduce_min3A_250 = arith.constant dense<0x7F800000> : vector<128xf32>
    %reduce_min3A_251 = vector.multi_reduction <minimumf>, %select_n3A_249, %reduce_min3A_250 [1] : vector<128x16384xf32> to vector<128xf32>
    %broadcast_in_dim3A_252 = vector.shape_cast %reduce_min3A_251 : vector<128xf32> to vector<128x1xf32>
    %eq3A_253 = vector.broadcast %broadcast_in_dim3A_252 : vector<128x1xf32> to vector<128x16384xf32>
    %eq3A_254 = arith.cmpf oeq, %select_n3A_249, %eq3A_253 : vector<128x16384xf32>
    %jit3A_255 = arith.constant 16384 : i32
    %broadcast_in_dim3A_256 = vector.broadcast %jit3A_255 : i32 to vector<128x16384xi32>
    %select_n3A_257 = arith.select %eq3A_254, %iota3A, %broadcast_in_dim3A_256 : vector<128x16384xi1>, vector<128x16384xi32>
    %reduce_min3A_258 = arith.constant dense<2147483647> : vector<128xi32>
    %reduce_min3A_259 = vector.multi_reduction <minsi>, %select_n3A_257, %reduce_min3A_258 [1] : vector<128x16384xi32> to vector<128xi32>
    %broadcast_in_dim3A_260 = vector.shape_cast %reduce_min3A_259 : vector<128xi32> to vector<128x1xi32>
    %swap3A_261 = arith.constant 0 : index
    %swap3A_262 = arith.constant 12 : index
    %swap3A_263 = vector.load %arg7[%swap3A_261, %swap3A_262] : memref<128x16xi32, #tpu.memory_space<vmem>>, vector<128x1xi32>
    tpu.vector_store %arg7[%swap3A_261, %swap3A_262], %broadcast_in_dim3A_260 {strides = array<i32>} : memref<128x16xi32, #tpu.memory_space<vmem>>, vector<128x1xi32>,
    %eq3A_264 = vector.broadcast %broadcast_in_dim3A_260 : vector<128x1xi32> to vector<128x16384xi32>
    %eq3A_265 = arith.cmpi eq, %iota3A, %eq3A_264 : vector<128x16384xi32>
    %jit3A_266 = arith.constant 0x7F800000 : f32
    %broadcast_in_dim3A_267 = vector.broadcast %jit3A_266 : f32 to vector<128x16384xf32>
    %select_n3A_268 = arith.select %eq3A_265, %broadcast_in_dim3A_267, %select_n3A_249 : vector<128x16384xi1>, vector<128x16384xf32>
    %reduce_min3A_269 = arith.constant dense<0x7F800000> : vector<128xf32>
    %reduce_min3A_270 = vector.multi_reduction <minimumf>, %select_n3A_268, %reduce_min3A_269 [1] : vector<128x16384xf32> to vector<128xf32>
    %broadcast_in_dim3A_271 = vector.shape_cast %reduce_min3A_270 : vector<128xf32> to vector<128x1xf32>
    %eq3A_272 = vector.broadcast %broadcast_in_dim3A_271 : vector<128x1xf32> to vector<128x16384xf32>
    %eq3A_273 = arith.cmpf oeq, %select_n3A_268, %eq3A_272 : vector<128x16384xf32>
    %jit3A_274 = arith.constant 16384 : i32
    %broadcast_in_dim3A_275 = vector.broadcast %jit3A_274 : i32 to vector<128x16384xi32>
    %select_n3A_276 = arith.select %eq3A_273, %iota3A, %broadcast_in_dim3A_275 : vector<128x16384xi1>, vector<128x16384xi32>
    %reduce_min3A_277 = arith.constant dense<2147483647> : vector<128xi32>
    %reduce_min3A_278 = vector.multi_reduction <minsi>, %select_n3A_276, %reduce_min3A_277 [1] : vector<128x16384xi32> to vector<128xi32>
    %broadcast_in_dim3A_279 = vector.shape_cast %reduce_min3A_278 : vector<128xi32> to vector<128x1xi32>
    %swap3A_280 = arith.constant 0 : index
    %swap3A_281 = arith.constant 13 : index
    %swap3A_282 = vector.load %arg7[%swap3A_280, %swap3A_281] : memref<128x16xi32, #tpu.memory_space<vmem>>, vector<128x1xi32>
    tpu.vector_store %arg7[%swap3A_280, %swap3A_281], %broadcast_in_dim3A_279 {strides = array<i32>} : memref<128x16xi32, #tpu.memory_space<vmem>>, vector<128x1xi32>,
    %eq3A_283 = vector.broadcast %broadcast_in_dim3A_279 : vector<128x1xi32> to vector<128x16384xi32>
    %eq3A_284 = arith.cmpi eq, %iota3A, %eq3A_283 : vector<128x16384xi32>
    %jit3A_285 = arith.constant 0x7F800000 : f32
    %broadcast_in_dim3A_286 = vector.broadcast %jit3A_285 : f32 to vector<128x16384xf32>
    %select_n3A_287 = arith.select %eq3A_284, %broadcast_in_dim3A_286, %select_n3A_268 : vector<128x16384xi1>, vector<128x16384xf32>
    %reduce_min3A_288 = arith.constant dense<0x7F800000> : vector<128xf32>
    %reduce_min3A_289 = vector.multi_reduction <minimumf>, %select_n3A_287, %reduce_min3A_288 [1] : vector<128x16384xf32> to vector<128xf32>
    %broadcast_in_dim3A_290 = vector.shape_cast %reduce_min3A_289 : vector<128xf32> to vector<128x1xf32>
    %eq3A_291 = vector.broadcast %broadcast_in_dim3A_290 : vector<128x1xf32> to vector<128x16384xf32>
    %eq3A_292 = arith.cmpf oeq, %select_n3A_287, %eq3A_291 : vector<128x16384xf32>
    %jit3A_293 = arith.constant 16384 : i32
    %broadcast_in_dim3A_294 = vector.broadcast %jit3A_293 : i32 to vector<128x16384xi32>
    %select_n3A_295 = arith.select %eq3A_292, %iota3A, %broadcast_in_dim3A_294 : vector<128x16384xi1>, vector<128x16384xi32>
    %reduce_min3A_296 = arith.constant dense<2147483647> : vector<128xi32>
    %reduce_min3A_297 = vector.multi_reduction <minsi>, %select_n3A_295, %reduce_min3A_296 [1] : vector<128x16384xi32> to vector<128xi32>
    %broadcast_in_dim3A_298 = vector.shape_cast %reduce_min3A_297 : vector<128xi32> to vector<128x1xi32>
    %swap3A_299 = arith.constant 0 : index
    %swap3A_300 = arith.constant 14 : index
    %swap3A_301 = vector.load %arg7[%swap3A_299, %swap3A_300] : memref<128x16xi32, #tpu.memory_space<vmem>>, vector<128x1xi32>
    tpu.vector_store %arg7[%swap3A_299, %swap3A_300], %broadcast_in_dim3A_298 {strides = array<i32>} : memref<128x16xi32, #tpu.memory_space<vmem>>, vector<128x1xi32>,
    %eq3A_302 = vector.broadcast %broadcast_in_dim3A_298 : vector<128x1xi32> to vector<128x16384xi32>
    %eq3A_303 = arith.cmpi eq, %iota3A, %eq3A_302 : vector<128x16384xi32>
    %jit3A_304 = arith.constant 0x7F800000 : f32
    %broadcast_in_dim3A_305 = vector.broadcast %jit3A_304 : f32 to vector<128x16384xf32>
    %select_n3A_306 = arith.select %eq3A_303, %broadcast_in_dim3A_305, %select_n3A_287 : vector<128x16384xi1>, vector<128x16384xf32>
    %reduce_min3A_307 = arith.constant dense<0x7F800000> : vector<128xf32>
    %reduce_min3A_308 = vector.multi_reduction <minimumf>, %select_n3A_306, %reduce_min3A_307 [1] : vector<128x16384xf32> to vector<128xf32>
    %broadcast_in_dim3A_309 = vector.shape_cast %reduce_min3A_308 : vector<128xf32> to vector<128x1xf32>
    %eq3A_310 = vector.broadcast %broadcast_in_dim3A_309 : vector<128x1xf32> to vector<128x16384xf32>
    %eq3A_311 = arith.cmpf oeq, %select_n3A_306, %eq3A_310 : vector<128x16384xf32>
    %jit3A_312 = arith.constant 16384 : i32
    %broadcast_in_dim3A_313 = vector.broadcast %jit3A_312 : i32 to vector<128x16384xi32>
    %select_n3A_314 = arith.select %eq3A_311, %iota3A, %broadcast_in_dim3A_313 : vector<128x16384xi1>, vector<128x16384xi32>
    %reduce_min3A_315 = arith.constant dense<2147483647> : vector<128xi32>
    %reduce_min3A_316 = vector.multi_reduction <minsi>, %select_n3A_314, %reduce_min3A_315 [1] : vector<128x16384xi32> to vector<128xi32>
    %broadcast_in_dim3A_317 = vector.shape_cast %reduce_min3A_316 : vector<128xi32> to vector<128x1xi32>
    %swap3A_318 = arith.constant 0 : index
    %swap3A_319 = arith.constant 15 : index
    %swap3A_320 = vector.load %arg7[%swap3A_318, %swap3A_319] : memref<128x16xi32, #tpu.memory_space<vmem>>, vector<128x1xi32>
    tpu.vector_store %arg7[%swap3A_318, %swap3A_319], %broadcast_in_dim3A_317 {strides = array<i32>} : memref<128x16xi32, #tpu.memory_space<vmem>>, vector<128x1xi32>,
    return
  }
  func.func @transform_0(%arg0: i32) -> (i32, i32) {
    %c0_i32 = arith.constant 0 : i32
    %c0_i32_0 = arith.constant 0 : i32
    %c0_i32_1 = arith.constant 0 : i32
    return %c0_i32, %c0_i32_0 : i32, i32
  }
  func.func @transform_1(%arg0: i32) -> (i32, i32) {
    %c0_i32 = arith.constant 0 : i32
    %c0_i32_0 = arith.constant 0 : i32
    %c0_i32_1 = arith.constant 0 : i32
    return %c0_i32, %c0_i32_0 : i32, i32
  }
  func.func @transform_2(%arg0: i32) -> (i32, i32) {
    %c0_i32 = arith.constant 0 : i32
    %c0_i32_0 = arith.constant 0 : i32
    %c0_i32_1 = arith.constant 0 : i32
    return %c0_i32, %c0_i32_0 : i32, i32
  }
  func.func @transform_3(%arg0: i32) -> (i32, i32) {
    %c0_i32 = arith.constant 0 : i32
    %c0_i32_0 = arith.constant 0 : i32
    return %arg0, %c0_i32 : i32, i32
  }
  func.func @transform_4(%arg0: i32) -> (i32, i32) {
    %c0_i32 = arith.constant 0 : i32
    %c0_i32_0 = arith.constant 0 : i32
    return %arg0, %c0_i32 : i32, i32
  }
  func.func @transform_5(%arg0: i32) -> (i32, i32) {
    %c0_i32 = arith.constant 0 : i32
    %c0_i32_0 = arith.constant 0 : i32
    return %arg0, %c0_i32 : i32, i32
  }
  func.func @transform_6(%arg0: i32) -> (i32, i32) {
    %c0_i32 = arith.constant 0 : i32
    %c0_i32_0 = arith.constant 0 : i32
    return %arg0, %c0_i32 : i32, i32
  }
}

module attributes {stable_mosaic.version = 14 : i64} {
  func.func @_tstats_body(%arg0: i32, %arg1: memref<2048x64xf32, #tpu.memory_space<vmem>>, %arg2: memref<64x128xf32, #tpu.memory_space<vmem>>, %arg3: memref<2x128xf32, #tpu.memory_space<vmem>>, %arg4: memref<2x128xf32, #tpu.memory_space<vmem>>) attributes {dimension_semantics = [#tpu.dimension_semantics<arbitrary>], iteration_bounds = array<i64: 8>, scalar_prefetch = 0 : i64, scratch_operands = 1 : i64, tpu.core_type = #tpu.core_type<tc>, window_params = [{transform_indices = @transform_0, window_bounds = array<i64: 2048, 64>}, {pipeline_mode = #tpu.pipeline_mode<synchronous>, transform_indices = @transform_1, window_bounds = array<i64: 64, 128>}, {pipeline_mode = #tpu.pipeline_mode<synchronous>, transform_indices = @transform_2, window_bounds = array<i64: 2, 128>}]} {
    %eq3A = arith.constant 0 : i32
    %eq3A_0 = arith.cmpi eq, %arg0, %eq3A : i32
    %convert_element_type3A = arith.extui %eq3A_0 : i1 to i32
    %cond3A = arith.constant 0 : i32
    %cond3A_1 = arith.cmpi ne, %convert_element_type3A, %cond3A : i32
    scf.if %cond3A_1 {
      %broadcast_in_dim3A_29 = arith.constant 0.000000e+00 : f32
      %broadcast_in_dim3A_30 = vector.broadcast %broadcast_in_dim3A_29 : f32 to vector<2x128xf32>
      %swap3A_31 = arith.constant 0 : index
      %swap3A_32 = arith.constant 0 : index
      %swap3A_33 = vector.load %arg4[%swap3A_31, %swap3A_32] : memref<2x128xf32, #tpu.memory_space<vmem>>, vector<2x128xf32>
      tpu.vector_store %arg4[%swap3A_31, %swap3A_32], %broadcast_in_dim3A_30 {strides = array<i32>} : memref<2x128xf32, #tpu.memory_space<vmem>>, vector<2x128xf32>,
    } else {
    }
    %get3A = arith.constant 0 : index
    %get3A_2 = arith.constant 0 : index
    %get3A_3 = vector.load %arg1[%get3A, %get3A_2] : memref<2048x64xf32, #tpu.memory_space<vmem>>, vector<2048x64xf32>
    %get3A_4 = arith.constant 0 : index
    %get3A_5 = arith.constant 0 : index
    %get3A_6 = vector.load %arg2[%get3A_4, %get3A_5] : memref<64x128xf32, #tpu.memory_space<vmem>>, vector<64x128xf32>
    %dot_general3A = arith.constant dense<0.000000e+00> : vector<2048x128xf32>
    %dot_general3A_7 = tpu.matmul %get3A_3, %get3A_6, %dot_general3A {dimension_numbers = #tpu.dot_dimension_numbers<[1], [0], [0], [1], [0, 0, 1, 1], [], []>, transpose_lhs_hint = false} : vector<2048x64xf32>, vector<64x128xf32>, vector<2048x128xf32> -> vector<2048x128xf32>
    %get3A_8 = arith.constant 0 : index
    %get3A_9 = arith.constant 0 : index
    %get3A_10 = vector.load %arg4[%get3A_8, %get3A_9] : memref<2x128xf32, #tpu.memory_space<vmem>>, vector<1x128xf32>
    %reduce_sum3A = arith.constant dense<0.000000e+00> : vector<128xf32>
    %reduce_sum3A_11 = vector.multi_reduction <add>, %dot_general3A_7, %reduce_sum3A [0] : vector<2048x128xf32> to vector<128xf32>
    %broadcast_in_dim3A = vector.shape_cast %reduce_sum3A_11 : vector<128xf32> to vector<1x128xf32>
    %add3A = arith.addf %get3A_10, %broadcast_in_dim3A : vector<1x128xf32>
    %swap3A = arith.constant 0 : index
    %swap3A_12 = arith.constant 0 : index
    %swap3A_13 = vector.load %arg4[%swap3A, %swap3A_12] : memref<2x128xf32, #tpu.memory_space<vmem>>, vector<1x128xf32>
    tpu.vector_store %arg4[%swap3A, %swap3A_12], %add3A {strides = array<i32>} : memref<2x128xf32, #tpu.memory_space<vmem>>, vector<1x128xf32>,
    %get3A_14 = arith.constant 1 : index
    %get3A_15 = arith.constant 0 : index
    %get3A_16 = vector.load %arg4[%get3A_14, %get3A_15] : memref<2x128xf32, #tpu.memory_space<vmem>>, vector<1x128xf32>
    %mul3A = arith.mulf %dot_general3A_7, %dot_general3A_7 : vector<2048x128xf32>
    %reduce_sum3A_17 = arith.constant dense<0.000000e+00> : vector<128xf32>
    %reduce_sum3A_18 = vector.multi_reduction <add>, %mul3A, %reduce_sum3A_17 [0] : vector<2048x128xf32> to vector<128xf32>
    %broadcast_in_dim3A_19 = vector.shape_cast %reduce_sum3A_18 : vector<128xf32> to vector<1x128xf32>
    %add3A_20 = arith.addf %get3A_16, %broadcast_in_dim3A_19 : vector<1x128xf32>
    %swap3A_21 = arith.constant 1 : index
    %swap3A_22 = arith.constant 0 : index
    %swap3A_23 = vector.load %arg4[%swap3A_21, %swap3A_22] : memref<2x128xf32, #tpu.memory_space<vmem>>, vector<1x128xf32>
    tpu.vector_store %arg4[%swap3A_21, %swap3A_22], %add3A_20 {strides = array<i32>} : memref<2x128xf32, #tpu.memory_space<vmem>>, vector<1x128xf32>,
    %eq3A_24 = arith.constant 7 : i32
    %eq3A_25 = arith.cmpi eq, %arg0, %eq3A_24 : i32
    %convert_element_type3A_26 = arith.extui %eq3A_25 : i1 to i32
    %cond3A_27 = arith.constant 0 : i32
    %cond3A_28 = arith.cmpi ne, %convert_element_type3A_26, %cond3A_27 : i32
    scf.if %cond3A_28 {
      %get3A_29 = arith.constant 0 : index
      %get3A_30 = arith.constant 0 : index
      %get3A_31 = vector.load %arg4[%get3A_29, %get3A_30] : memref<2x128xf32, #tpu.memory_space<vmem>>, vector<2x128xf32>
      %swap3A_32 = arith.constant 0 : index
      %swap3A_33 = arith.constant 0 : index
      %swap3A_34 = vector.load %arg3[%swap3A_32, %swap3A_33] : memref<2x128xf32, #tpu.memory_space<vmem>>, vector<2x128xf32>
      tpu.vector_store %arg3[%swap3A_32, %swap3A_33], %get3A_31 {strides = array<i32>} : memref<2x128xf32, #tpu.memory_space<vmem>>, vector<2x128xf32>,
    } else {
    }
    return
  }
  func.func @transform_0(%arg0: i32) -> (i32, i32) {
    %c0_i32 = arith.constant 0 : i32
    %c0_i32_0 = arith.constant 0 : i32
    return %arg0, %c0_i32 : i32, i32
  }
  func.func @transform_1(%arg0: i32) -> (i32, i32) {
    %c0_i32 = arith.constant 0 : i32
    %c0_i32_0 = arith.constant 0 : i32
    %c0_i32_1 = arith.constant 0 : i32
    return %c0_i32, %c0_i32_0 : i32, i32
  }
  func.func @transform_2(%arg0: i32) -> (i32, i32) {
    %c0_i32 = arith.constant 0 : i32
    %c0_i32_0 = arith.constant 0 : i32
    %c0_i32_1 = arith.constant 0 : i32
    return %c0_i32, %c0_i32_0 : i32, i32
  }
}

module attributes {stable_mosaic.version = 14 : i64} {
  func.func @_gy_body(%arg0: i32, %arg1: memref<3x2048xf32, #tpu.memory_space<vmem>>, %arg2: memref<2048x64xf32, #tpu.memory_space<vmem>>, %arg3: memref<67x64xf32, #tpu.memory_space<vmem>>, %arg4: memref<64x128xf32, #tpu.memory_space<vmem>>, %arg5: memref<1x128xf32, #tpu.memory_space<vmem>>, %arg6: memref<1x128xf32, #tpu.memory_space<vmem>>, %arg7: memref<2x128xf32, #tpu.memory_space<vmem>>, %arg8: memref<2048x256xf32, #tpu.memory_space<vmem>>) attributes {dimension_semantics = [#tpu.dimension_semantics<arbitrary>], iteration_bounds = array<i64: 8>, scalar_prefetch = 0 : i64, scratch_operands = 0 : i64, tpu.core_type = #tpu.core_type<tc>, window_params = [{transform_indices = @transform_0, window_bounds = array<i64: 3, 2048>}, {transform_indices = @transform_1, window_bounds = array<i64: 2048, 64>}, {pipeline_mode = #tpu.pipeline_mode<synchronous>, transform_indices = @transform_2, window_bounds = array<i64: 67, 64>}, {pipeline_mode = #tpu.pipeline_mode<synchronous>, transform_indices = @transform_3, window_bounds = array<i64: 64, 128>}, {pipeline_mode = #tpu.pipeline_mode<synchronous>, transform_indices = @transform_4, window_bounds = array<i64: 1, 128>}, {pipeline_mode = #tpu.pipeline_mode<synchronous>, transform_indices = @transform_5, window_bounds = array<i64: 1, 128>}, {pipeline_mode = #tpu.pipeline_mode<synchronous>, transform_indices = @transform_6, window_bounds = array<i64: 2, 128>}, {transform_indices = @transform_7, window_bounds = array<i64: 2048, 256>}]} {
    %get3A = arith.constant 0 : index
    %get3A_0 = arith.constant 0 : index
    %get3A_1 = vector.load %arg2[%get3A, %get3A_0] : memref<2048x64xf32, #tpu.memory_space<vmem>>, vector<2048x64xf32>
    %get3A_2 = arith.constant 0 : index
    %get3A_3 = arith.constant 0 : index
    %get3A_4 = vector.load %arg3[%get3A_2, %get3A_3] : memref<67x64xf32, #tpu.memory_space<vmem>>, vector<67x64xf32>
    %get3A_5 = arith.constant 0 : index
    %get3A_6 = arith.constant 0 : index
    %get3A_7 = vector.load %arg1[%get3A_5, %get3A_6] : memref<3x2048xf32, #tpu.memory_space<vmem>>, vector<3x2048xf32>
    %slice3A = vector.extract_strided_slice %get3A_4 {offsets = [0, 0], sizes = [3, 64], strides = [1, 1]} : vector<67x64xf32> to vector<3x64xf32>
    %dot_general3A = arith.constant dense<0.000000e+00> : vector<2048x64xf32>
    %dot_general3A_8 = tpu.matmul %get3A_7, %slice3A, %dot_general3A {dimension_numbers = #tpu.dot_dimension_numbers<[0], [0], [1], [1], [0, 1, 1, 1], [], []>, transpose_lhs_hint = false} : vector<3x2048xf32>, vector<3x64xf32>, vector<2048x64xf32> -> vector<2048x64xf32>
    %slice3A_9 = vector.extract_strided_slice %get3A_4 {offsets = [3, 0], sizes = [64, 64], strides = [1, 1]} : vector<67x64xf32> to vector<64x64xf32>
    %dot_general3A_10 = arith.constant dense<0.000000e+00> : vector<2048x64xf32>
    %dot_general3A_11 = tpu.matmul %get3A_1, %slice3A_9, %dot_general3A_10 {dimension_numbers = #tpu.dot_dimension_numbers<[1], [0], [0], [1], [0, 0, 1, 1], [], []>, transpose_lhs_hint = false} : vector<2048x64xf32>, vector<64x64xf32>, vector<2048x64xf32> -> vector<2048x64xf32>
    %add3A = arith.addf %dot_general3A_8, %dot_general3A_11 : vector<2048x64xf32>
    %swap3A = arith.constant 0 : index
    %swap3A_12 = arith.constant 0 : index
    %swap3A_13 = vector.load %arg8[%swap3A, %swap3A_12] : memref<2048x256xf32, #tpu.memory_space<vmem>>, vector<2048x64xf32>
    tpu.vector_store %arg8[%swap3A, %swap3A_12], %add3A {strides = array<i32>} : memref<2048x256xf32, #tpu.memory_space<vmem>>, vector<2048x64xf32>,
    %get3A_14 = arith.constant 0 : index
    %get3A_15 = arith.constant 0 : index
    %get3A_16 = vector.load %arg7[%get3A_14, %get3A_15] : memref<2x128xf32, #tpu.memory_space<vmem>>, vector<1x128xf32>
    %mul3A = arith.constant 6.10351563E-5 : f32
    %mul3A_17 = vector.broadcast %mul3A : f32 to vector<1x128xf32>
    %mul3A_18 = arith.mulf %get3A_16, %mul3A_17 : vector<1x128xf32>
    %get3A_19 = arith.constant 1 : index
    %get3A_20 = arith.constant 0 : index
    %get3A_21 = vector.load %arg7[%get3A_19, %get3A_20] : memref<2x128xf32, #tpu.memory_space<vmem>>, vector<1x128xf32>
    %mul3A_22 = arith.constant 6.10351563E-5 : f32
    %mul3A_23 = vector.broadcast %mul3A_22 : f32 to vector<1x128xf32>
    %mul3A_24 = arith.mulf %get3A_21, %mul3A_23 : vector<1x128xf32>
    %mul3A_25 = arith.mulf %mul3A_18, %mul3A_18 : vector<1x128xf32>
    %sub3A = arith.subf %mul3A_24, %mul3A_25 : vector<1x128xf32>
    %get3A_26 = arith.constant 0 : index
    %get3A_27 = arith.constant 0 : index
    %get3A_28 = vector.load %arg4[%get3A_26, %get3A_27] : memref<64x128xf32, #tpu.memory_space<vmem>>, vector<64x128xf32>
    %dot_general3A_29 = arith.constant dense<0.000000e+00> : vector<2048x128xf32>
    %dot_general3A_30 = tpu.matmul %get3A_1, %get3A_28, %dot_general3A_29 {dimension_numbers = #tpu.dot_dimension_numbers<[1], [0], [0], [1], [0, 0, 1, 1], [], []>, transpose_lhs_hint = false} : vector<2048x64xf32>, vector<64x128xf32>, vector<2048x128xf32> -> vector<2048x128xf32>
    %get3A_31 = arith.constant 0 : index
    %get3A_32 = arith.constant 0 : index
    %get3A_33 = vector.load %arg5[%get3A_31, %get3A_32] : memref<1x128xf32, #tpu.memory_space<vmem>>, vector<1x128xf32>
    %sub3A_34 = vector.broadcast %mul3A_18 : vector<1x128xf32> to vector<2048x128xf32>
    %sub3A_35 = arith.subf %dot_general3A_30, %sub3A_34 : vector<2048x128xf32>
    %mul3A_36 = vector.broadcast %get3A_33 : vector<1x128xf32> to vector<2048x128xf32>
    %mul3A_37 = arith.mulf %mul3A_36, %sub3A_35 : vector<2048x128xf32>
    %add3A_38 = arith.constant 9.99999974E-6 : f32
    %add3A_39 = vector.broadcast %add3A_38 : f32 to vector<1x128xf32>
    %add3A_40 = arith.addf %sub3A, %add3A_39 : vector<1x128xf32>
    %sqrt3A = math.sqrt %add3A_40 : vector<1x128xf32>
    %div3A = vector.broadcast %sqrt3A : vector<1x128xf32> to vector<2048x128xf32>
    %div3A_41 = arith.divf %mul3A_37, %div3A : vector<2048x128xf32>
    %get3A_42 = arith.constant 0 : index
    %get3A_43 = arith.constant 0 : index
    %get3A_44 = vector.load %arg6[%get3A_42, %get3A_43] : memref<1x128xf32, #tpu.memory_space<vmem>>, vector<1x128xf32>
    %add3A_45 = vector.broadcast %get3A_44 : vector<1x128xf32> to vector<2048x128xf32>
    %add3A_46 = arith.addf %div3A_41, %add3A_45 : vector<2048x128xf32>
    %max3A = arith.constant 0.000000e+00 : f32
    %max3A_47 = vector.broadcast %max3A : f32 to vector<2048x128xf32>
    %max3A_48 = arith.maximumf %add3A_46, %max3A_47 : vector<2048x128xf32>
    %swap3A_49 = arith.constant 0 : index
    %swap3A_50 = arith.constant 64 : index
    %swap3A_51 = vector.load %arg8[%swap3A_49, %swap3A_50] : memref<2048x256xf32, #tpu.memory_space<vmem>>, vector<2048x128xf32>
    tpu.vector_store %arg8[%swap3A_49, %swap3A_50], %max3A_48 {strides = array<i32>} : memref<2048x256xf32, #tpu.memory_space<vmem>>, vector<2048x128xf32>,
    %broadcast_in_dim3A = arith.constant 0.000000e+00 : f32
    %broadcast_in_dim3A_52 = vector.broadcast %broadcast_in_dim3A : f32 to vector<2048x64xf32>
    %swap3A_53 = arith.constant 0 : index
    %swap3A_54 = arith.constant 192 : index
    %swap3A_55 = vector.load %arg8[%swap3A_53, %swap3A_54] : memref<2048x256xf32, #tpu.memory_space<vmem>>, vector<2048x64xf32>
    tpu.vector_store %arg8[%swap3A_53, %swap3A_54], %broadcast_in_dim3A_52 {strides = array<i32>} : memref<2048x256xf32, #tpu.memory_space<vmem>>, vector<2048x64xf32>,
    return
  }
  func.func @transform_0(%arg0: i32) -> (i32, i32) {
    %c0_i32 = arith.constant 0 : i32
    %c0_i32_0 = arith.constant 0 : i32
    return %c0_i32, %arg0 : i32, i32
  }
  func.func @transform_1(%arg0: i32) -> (i32, i32) {
    %c0_i32 = arith.constant 0 : i32
    %c0_i32_0 = arith.constant 0 : i32
    return %arg0, %c0_i32 : i32, i32
  }
  func.func @transform_2(%arg0: i32) -> (i32, i32) {
    %c0_i32 = arith.constant 0 : i32
    %c0_i32_0 = arith.constant 0 : i32
    %c0_i32_1 = arith.constant 0 : i32
    return %c0_i32, %c0_i32_0 : i32, i32
  }
  func.func @transform_3(%arg0: i32) -> (i32, i32) {
    %c0_i32 = arith.constant 0 : i32
    %c0_i32_0 = arith.constant 0 : i32
    %c0_i32_1 = arith.constant 0 : i32
    return %c0_i32, %c0_i32_0 : i32, i32
  }
  func.func @transform_4(%arg0: i32) -> (i32, i32) {
    %c0_i32 = arith.constant 0 : i32
    %c0_i32_0 = arith.constant 0 : i32
    %c0_i32_1 = arith.constant 0 : i32
    return %c0_i32, %c0_i32_0 : i32, i32
  }
  func.func @transform_5(%arg0: i32) -> (i32, i32) {
    %c0_i32 = arith.constant 0 : i32
    %c0_i32_0 = arith.constant 0 : i32
    %c0_i32_1 = arith.constant 0 : i32
    return %c0_i32, %c0_i32_0 : i32, i32
  }
  func.func @transform_6(%arg0: i32) -> (i32, i32) {
    %c0_i32 = arith.constant 0 : i32
    %c0_i32_0 = arith.constant 0 : i32
    %c0_i32_1 = arith.constant 0 : i32
    return %c0_i32, %c0_i32_0 : i32, i32
  }
  func.func @transform_7(%arg0: i32) -> (i32, i32) {
    %c0_i32 = arith.constant 0 : i32
    %c0_i32_0 = arith.constant 0 : i32
    return %arg0, %c0_i32 : i32, i32
  }
}

module attributes {stable_mosaic.version = 14 : i64} {
  func.func @_stats_body(%arg0: i32, %arg1: memref<4096x64xf32, #tpu.memory_space<vmem>>, %arg2: memref<256x1xf32, #tpu.memory_space<vmem>>, %arg3: memref<256x1xf32, #tpu.memory_space<vmem>>, %arg4: memref<256x1xf32, #tpu.memory_space<vmem>>, %arg5: memref<3x64xf32, #tpu.memory_space<vmem>>, %arg6: memref<2x64xf32, #tpu.memory_space<vmem>>, %arg7: memref<2x64xf32, #tpu.memory_space<vmem>>) attributes {dimension_semantics = [#tpu.dimension_semantics<arbitrary>], iteration_bounds = array<i64: 16>, scalar_prefetch = 0 : i64, scratch_operands = 1 : i64, tpu.core_type = #tpu.core_type<tc>, window_params = [{transform_indices = @transform_0, window_bounds = array<i64: 4096, 64>}, {transform_indices = @transform_1, window_bounds = array<i64: 256, 1>}, {transform_indices = @transform_2, window_bounds = array<i64: 256, 1>}, {transform_indices = @transform_3, window_bounds = array<i64: 256, 1>}, {pipeline_mode = #tpu.pipeline_mode<synchronous>, transform_indices = @transform_4, window_bounds = array<i64: 3, 64>}, {pipeline_mode = #tpu.pipeline_mode<synchronous>, transform_indices = @transform_5, window_bounds = array<i64: 2, 64>}]} {
    %eq3A = arith.constant 0 : i32
    %eq3A_0 = arith.cmpi eq, %arg0, %eq3A : i32
    %convert_element_type3A = arith.extui %eq3A_0 : i1 to i32
    %cond3A = arith.constant 0 : i32
    %cond3A_1 = arith.cmpi ne, %convert_element_type3A, %cond3A : i32
    scf.if %cond3A_1 {
      %broadcast_in_dim3A_54 = arith.constant 0.000000e+00 : f32
      %broadcast_in_dim3A_55 = vector.broadcast %broadcast_in_dim3A_54 : f32 to vector<2x64xf32>
      %swap3A_56 = arith.constant 0 : index
      %swap3A_57 = arith.constant 0 : index
      %swap3A_58 = vector.load %arg7[%swap3A_56, %swap3A_57] : memref<2x64xf32, #tpu.memory_space<vmem>>, vector<2x64xf32>
      tpu.vector_store %arg7[%swap3A_56, %swap3A_57], %broadcast_in_dim3A_55 {strides = array<i32>} : memref<2x64xf32, #tpu.memory_space<vmem>>, vector<2x64xf32>,
    } else {
    }
    %get3A = arith.constant 0 : index
    %get3A_2 = arith.constant 0 : index
    %get3A_3 = vector.load %arg5[%get3A, %get3A_2] : memref<3x64xf32, #tpu.memory_space<vmem>>, vector<3x64xf32>
    %get3A_4 = arith.constant 0 : index
    %get3A_5 = arith.constant 0 : index
    %get3A_6 = vector.load %arg2[%get3A_4, %get3A_5] : memref<256x1xf32, #tpu.memory_space<vmem>>, vector<256x1xf32>
    %slice3A = vector.extract_strided_slice %get3A_3 {offsets = [0, 0], sizes = [1, 64], strides = [1, 1]} : vector<3x64xf32> to vector<1x64xf32>
    %mul3A = vector.broadcast %get3A_6 : vector<256x1xf32> to vector<256x64xf32>
    %mul3A_7 = vector.broadcast %slice3A : vector<1x64xf32> to vector<256x64xf32>
    %mul3A_8 = arith.mulf %mul3A, %mul3A_7 : vector<256x64xf32>
    %get3A_9 = arith.constant 0 : index
    %get3A_10 = arith.constant 0 : index
    %get3A_11 = vector.load %arg3[%get3A_9, %get3A_10] : memref<256x1xf32, #tpu.memory_space<vmem>>, vector<256x1xf32>
    %slice3A_12 = vector.extract_strided_slice %get3A_3 {offsets = [1, 0], sizes = [1, 64], strides = [1, 1]} : vector<3x64xf32> to vector<1x64xf32>
    %mul3A_13 = vector.broadcast %get3A_11 : vector<256x1xf32> to vector<256x64xf32>
    %mul3A_14 = vector.broadcast %slice3A_12 : vector<1x64xf32> to vector<256x64xf32>
    %mul3A_15 = arith.mulf %mul3A_13, %mul3A_14 : vector<256x64xf32>
    %add3A = arith.addf %mul3A_8, %mul3A_15 : vector<256x64xf32>
    %get3A_16 = arith.constant 0 : index
    %get3A_17 = arith.constant 0 : index
    %get3A_18 = vector.load %arg4[%get3A_16, %get3A_17] : memref<256x1xf32, #tpu.memory_space<vmem>>, vector<256x1xf32>
    %slice3A_19 = vector.extract_strided_slice %get3A_3 {offsets = [2, 0], sizes = [1, 64], strides = [1, 1]} : vector<3x64xf32> to vector<1x64xf32>
    %mul3A_20 = vector.broadcast %get3A_18 : vector<256x1xf32> to vector<256x64xf32>
    %mul3A_21 = vector.broadcast %slice3A_19 : vector<1x64xf32> to vector<256x64xf32>
    %mul3A_22 = arith.mulf %mul3A_20, %mul3A_21 : vector<256x64xf32>
    %add3A_23 = arith.addf %add3A, %mul3A_22 : vector<256x64xf32>
    %get3A_24 = arith.constant 0 : index
    %get3A_25 = arith.constant 0 : index
    %get3A_26 = vector.load %arg1[%get3A_24, %get3A_25] : memref<4096x64xf32, #tpu.memory_space<vmem>>, vector<4096x64xf32>
    %reshape3A = vector.shape_cast %get3A_26 : vector<4096x64xf32> to vector<256x16x64xf32>
    %broadcast_in_dim3A = vector.shape_cast %add3A_23 : vector<256x64xf32> to vector<256x1x64xf32>
    %sub3A = vector.broadcast %broadcast_in_dim3A : vector<256x1x64xf32> to vector<256x16x64xf32>
    %sub3A_27 = arith.subf %reshape3A, %sub3A : vector<256x16x64xf32>
    %get3A_28 = arith.constant 0 : index
    %get3A_29 = arith.constant 0 : index
    %get3A_30 = vector.load %arg7[%get3A_28, %get3A_29] : memref<2x64xf32, #tpu.memory_space<vmem>>, vector<1x64xf32>
    %reduce_sum3A = arith.constant dense<0.000000e+00> : vector<64xf32>
    %reduce_sum3A_31 = vector.multi_reduction <add>, %sub3A_27, %reduce_sum3A [0, 1] : vector<256x16x64xf32> to vector<64xf32>
    %broadcast_in_dim3A_32 = vector.shape_cast %reduce_sum3A_31 : vector<64xf32> to vector<1x1x64xf32>
    %reshape3A_33 = vector.shape_cast %broadcast_in_dim3A_32 : vector<1x1x64xf32> to vector<1x64xf32>
    %add3A_34 = arith.addf %get3A_30, %reshape3A_33 : vector<1x64xf32>
    %swap3A = arith.constant 0 : index
    %swap3A_35 = arith.constant 0 : index
    %swap3A_36 = vector.load %arg7[%swap3A, %swap3A_35] : memref<2x64xf32, #tpu.memory_space<vmem>>, vector<1x64xf32>
    tpu.vector_store %arg7[%swap3A, %swap3A_35], %add3A_34 {strides = array<i32>} : memref<2x64xf32, #tpu.memory_space<vmem>>, vector<1x64xf32>,
    %get3A_37 = arith.constant 1 : index
    %get3A_38 = arith.constant 0 : index
    %get3A_39 = vector.load %arg7[%get3A_37, %get3A_38] : memref<2x64xf32, #tpu.memory_space<vmem>>, vector<1x64xf32>
    %mul3A_40 = arith.mulf %sub3A_27, %sub3A_27 : vector<256x16x64xf32>
    %reduce_sum3A_41 = arith.constant dense<0.000000e+00> : vector<64xf32>
    %reduce_sum3A_42 = vector.multi_reduction <add>, %mul3A_40, %reduce_sum3A_41 [0, 1] : vector<256x16x64xf32> to vector<64xf32>
    %broadcast_in_dim3A_43 = vector.shape_cast %reduce_sum3A_42 : vector<64xf32> to vector<1x1x64xf32>
    %reshape3A_44 = vector.shape_cast %broadcast_in_dim3A_43 : vector<1x1x64xf32> to vector<1x64xf32>
    %add3A_45 = arith.addf %get3A_39, %reshape3A_44 : vector<1x64xf32>
    %swap3A_46 = arith.constant 1 : index
    %swap3A_47 = arith.constant 0 : index
    %swap3A_48 = vector.load %arg7[%swap3A_46, %swap3A_47] : memref<2x64xf32, #tpu.memory_space<vmem>>, vector<1x64xf32>
    tpu.vector_store %arg7[%swap3A_46, %swap3A_47], %add3A_45 {strides = array<i32>} : memref<2x64xf32, #tpu.memory_space<vmem>>, vector<1x64xf32>,
    %eq3A_49 = arith.constant 15 : i32
    %eq3A_50 = arith.cmpi eq, %arg0, %eq3A_49 : i32
    %convert_element_type3A_51 = arith.extui %eq3A_50 : i1 to i32
    %cond3A_52 = arith.constant 0 : i32
    %cond3A_53 = arith.cmpi ne, %convert_element_type3A_51, %cond3A_52 : i32
    scf.if %cond3A_53 {
      %get3A_54 = arith.constant 0 : index
      %get3A_55 = arith.constant 0 : index
      %get3A_56 = vector.load %arg7[%get3A_54, %get3A_55] : memref<2x64xf32, #tpu.memory_space<vmem>>, vector<2x64xf32>
      %swap3A_57 = arith.constant 0 : index
      %swap3A_58 = arith.constant 0 : index
      %swap3A_59 = vector.load %arg6[%swap3A_57, %swap3A_58] : memref<2x64xf32, #tpu.memory_space<vmem>>, vector<2x64xf32>
      tpu.vector_store %arg6[%swap3A_57, %swap3A_58], %get3A_56 {strides = array<i32>} : memref<2x64xf32, #tpu.memory_space<vmem>>, vector<2x64xf32>,
    } else {
    }
    return
  }
  func.func @transform_0(%arg0: i32) -> (i32, i32) {
    %c0_i32 = arith.constant 0 : i32
    %c0_i32_0 = arith.constant 0 : i32
    return %arg0, %c0_i32 : i32, i32
  }
  func.func @transform_1(%arg0: i32) -> (i32, i32) {
    %c0_i32 = arith.constant 0 : i32
    %c0_i32_0 = arith.constant 0 : i32
    return %arg0, %c0_i32 : i32, i32
  }
  func.func @transform_2(%arg0: i32) -> (i32, i32) {
    %c0_i32 = arith.constant 0 : i32
    %c0_i32_0 = arith.constant 0 : i32
    return %arg0, %c0_i32 : i32, i32
  }
  func.func @transform_3(%arg0: i32) -> (i32, i32) {
    %c0_i32 = arith.constant 0 : i32
    %c0_i32_0 = arith.constant 0 : i32
    return %arg0, %c0_i32 : i32, i32
  }
  func.func @transform_4(%arg0: i32) -> (i32, i32) {
    %c0_i32 = arith.constant 0 : i32
    %c0_i32_0 = arith.constant 0 : i32
    %c0_i32_1 = arith.constant 0 : i32
    return %c0_i32, %c0_i32_0 : i32, i32
  }
  func.func @transform_5(%arg0: i32) -> (i32, i32) {
    %c0_i32 = arith.constant 0 : i32
    %c0_i32_0 = arith.constant 0 : i32
    %c0_i32_1 = arith.constant 0 : i32
    return %c0_i32, %c0_i32_0 : i32, i32
  }
}

module attributes {stable_mosaic.version = 14 : i64} {
  func.func @_apply_body(%arg0: i32, %arg1: memref<2x64xf32, #tpu.memory_space<vmem>>, %arg2: memref<4096x256xf32, #tpu.memory_space<vmem>>, %arg3: memref<256x1xf32, #tpu.memory_space<vmem>>, %arg4: memref<256x1xf32, #tpu.memory_space<vmem>>, %arg5: memref<256x1xf32, #tpu.memory_space<vmem>>, %arg6: memref<3x64xf32, #tpu.memory_space<vmem>>, %arg7: memref<1x64xf32, #tpu.memory_space<vmem>>, %arg8: memref<1x64xf32, #tpu.memory_space<vmem>>, %arg9: memref<1x64xf32, #tpu.memory_space<vmem>>, %arg10: memref<1x1xf32, #tpu.memory_space<vmem>>, %arg11: memref<256x128xf32, #tpu.memory_space<vmem>>) attributes {dimension_semantics = [#tpu.dimension_semantics<arbitrary>], iteration_bounds = array<i64: 16>, scalar_prefetch = 0 : i64, scratch_operands = 0 : i64, tpu.core_type = #tpu.core_type<tc>, window_params = [{pipeline_mode = #tpu.pipeline_mode<synchronous>, transform_indices = @transform_0, window_bounds = array<i64: 2, 64>}, {transform_indices = @transform_1, window_bounds = array<i64: 4096, 256>}, {transform_indices = @transform_2, window_bounds = array<i64: 256, 1>}, {transform_indices = @transform_3, window_bounds = array<i64: 256, 1>}, {transform_indices = @transform_4, window_bounds = array<i64: 256, 1>}, {pipeline_mode = #tpu.pipeline_mode<synchronous>, transform_indices = @transform_5, window_bounds = array<i64: 3, 64>}, {pipeline_mode = #tpu.pipeline_mode<synchronous>, transform_indices = @transform_6, window_bounds = array<i64: 1, 64>}, {pipeline_mode = #tpu.pipeline_mode<synchronous>, transform_indices = @transform_7, window_bounds = array<i64: 1, 64>}, {pipeline_mode = #tpu.pipeline_mode<synchronous>, transform_indices = @transform_8, window_bounds = array<i64: 1, 64>}, {pipeline_mode = #tpu.pipeline_mode<synchronous>, transform_indices = @transform_9, window_bounds = array<i64: 1, 1>}, {transform_indices = @transform_10, window_bounds = array<i64: 256, 128>}]} {
    %get3A = arith.constant 0 : index
    %get3A_0 = arith.constant 0 : index
    %get3A_1 = vector.load %arg1[%get3A, %get3A_0] : memref<2x64xf32, #tpu.memory_space<vmem>>, vector<1x64xf32>
    %mul3A = arith.constant 1.52587891E-5 : f32
    %mul3A_2 = vector.broadcast %mul3A : f32 to vector<1x64xf32>
    %mul3A_3 = arith.mulf %get3A_1, %mul3A_2 : vector<1x64xf32>
    %get3A_4 = arith.constant 1 : index
    %get3A_5 = arith.constant 0 : index
    %get3A_6 = vector.load %arg1[%get3A_4, %get3A_5] : memref<2x64xf32, #tpu.memory_space<vmem>>, vector<1x64xf32>
    %mul3A_7 = arith.constant 1.52587891E-5 : f32
    %mul3A_8 = vector.broadcast %mul3A_7 : f32 to vector<1x64xf32>
    %mul3A_9 = arith.mulf %get3A_6, %mul3A_8 : vector<1x64xf32>
    %mul3A_10 = arith.mulf %mul3A_3, %mul3A_3 : vector<1x64xf32>
    %sub3A = arith.subf %mul3A_9, %mul3A_10 : vector<1x64xf32>
    %get3A_11 = arith.constant 0 : index
    %get3A_12 = arith.constant 0 : index
    %get3A_13 = vector.load %arg6[%get3A_11, %get3A_12] : memref<3x64xf32, #tpu.memory_space<vmem>>, vector<3x64xf32>
    %get3A_14 = arith.constant 0 : index
    %get3A_15 = arith.constant 0 : index
    %get3A_16 = vector.load %arg3[%get3A_14, %get3A_15] : memref<256x1xf32, #tpu.memory_space<vmem>>, vector<256x1xf32>
    %slice3A = vector.extract_strided_slice %get3A_13 {offsets = [0, 0], sizes = [1, 64], strides = [1, 1]} : vector<3x64xf32> to vector<1x64xf32>
    %mul3A_17 = vector.broadcast %get3A_16 : vector<256x1xf32> to vector<256x64xf32>
    %mul3A_18 = vector.broadcast %slice3A : vector<1x64xf32> to vector<256x64xf32>
    %mul3A_19 = arith.mulf %mul3A_17, %mul3A_18 : vector<256x64xf32>
    %get3A_20 = arith.constant 0 : index
    %get3A_21 = arith.constant 0 : index
    %get3A_22 = vector.load %arg4[%get3A_20, %get3A_21] : memref<256x1xf32, #tpu.memory_space<vmem>>, vector<256x1xf32>
    %slice3A_23 = vector.extract_strided_slice %get3A_13 {offsets = [1, 0], sizes = [1, 64], strides = [1, 1]} : vector<3x64xf32> to vector<1x64xf32>
    %mul3A_24 = vector.broadcast %get3A_22 : vector<256x1xf32> to vector<256x64xf32>
    %mul3A_25 = vector.broadcast %slice3A_23 : vector<1x64xf32> to vector<256x64xf32>
    %mul3A_26 = arith.mulf %mul3A_24, %mul3A_25 : vector<256x64xf32>
    %add3A = arith.addf %mul3A_19, %mul3A_26 : vector<256x64xf32>
    %get3A_27 = arith.constant 0 : index
    %get3A_28 = arith.constant 0 : index
    %get3A_29 = vector.load %arg5[%get3A_27, %get3A_28] : memref<256x1xf32, #tpu.memory_space<vmem>>, vector<256x1xf32>
    %slice3A_30 = vector.extract_strided_slice %get3A_13 {offsets = [2, 0], sizes = [1, 64], strides = [1, 1]} : vector<3x64xf32> to vector<1x64xf32>
    %mul3A_31 = vector.broadcast %get3A_29 : vector<256x1xf32> to vector<256x64xf32>
    %mul3A_32 = vector.broadcast %slice3A_30 : vector<1x64xf32> to vector<256x64xf32>
    %mul3A_33 = arith.mulf %mul3A_31, %mul3A_32 : vector<256x64xf32>
    %add3A_34 = arith.addf %add3A, %mul3A_33 : vector<256x64xf32>
    %get3A_35 = arith.constant 0 : index
    %get3A_36 = arith.constant 0 : index
    %get3A_37 = vector.load %arg2[%get3A_35, %get3A_36] : memref<4096x256xf32, #tpu.memory_space<vmem>>, vector<4096x256xf32>
    %slice3A_38 = vector.extract_strided_slice %get3A_37 {offsets = [0, 0], sizes = [4096, 64], strides = [1, 1]} : vector<4096x256xf32> to vector<4096x64xf32>
    %reshape3A = vector.shape_cast %slice3A_38 : vector<4096x64xf32> to vector<256x16x64xf32>
    %broadcast_in_dim3A = vector.shape_cast %add3A_34 : vector<256x64xf32> to vector<256x1x64xf32>
    %sub3A_39 = vector.broadcast %broadcast_in_dim3A : vector<256x1x64xf32> to vector<256x16x64xf32>
    %sub3A_40 = arith.subf %reshape3A, %sub3A_39 : vector<256x16x64xf32>
    %reshape3A_41 = vector.shape_cast %mul3A_3 : vector<1x64xf32> to vector<1x1x64xf32>
    %add3A_42 = arith.constant 9.99999974E-6 : f32
    %add3A_43 = vector.broadcast %add3A_42 : f32 to vector<1x64xf32>
    %add3A_44 = arith.addf %sub3A, %add3A_43 : vector<1x64xf32>
    %sqrt3A = math.sqrt %add3A_44 : vector<1x64xf32>
    %reshape3A_45 = vector.shape_cast %sqrt3A : vector<1x64xf32> to vector<1x1x64xf32>
    %get3A_46 = arith.constant 0 : index
    %get3A_47 = arith.constant 0 : index
    %get3A_48 = vector.load %arg7[%get3A_46, %get3A_47] : memref<1x64xf32, #tpu.memory_space<vmem>>, vector<1x64xf32>
    %reshape3A_49 = vector.shape_cast %get3A_48 : vector<1x64xf32> to vector<1x1x64xf32>
    %sub3A_50 = vector.broadcast %reshape3A_41 : vector<1x1x64xf32> to vector<256x16x64xf32>
    %sub3A_51 = arith.subf %sub3A_40, %sub3A_50 : vector<256x16x64xf32>
    %mul3A_52 = vector.broadcast %reshape3A_49 : vector<1x1x64xf32> to vector<256x16x64xf32>
    %mul3A_53 = arith.mulf %mul3A_52, %sub3A_51 : vector<256x16x64xf32>
    %div3A = vector.broadcast %reshape3A_45 : vector<1x1x64xf32> to vector<256x16x64xf32>
    %div3A_54 = arith.divf %mul3A_53, %div3A : vector<256x16x64xf32>
    %get3A_55 = arith.constant 0 : index
    %get3A_56 = arith.constant 0 : index
    %get3A_57 = vector.load %arg8[%get3A_55, %get3A_56] : memref<1x64xf32, #tpu.memory_space<vmem>>, vector<1x64xf32>
    %reshape3A_58 = vector.shape_cast %get3A_57 : vector<1x64xf32> to vector<1x1x64xf32>
    %add3A_59 = vector.broadcast %reshape3A_58 : vector<1x1x64xf32> to vector<256x16x64xf32>
    %add3A_60 = arith.addf %div3A_54, %add3A_59 : vector<256x16x64xf32>
    %max3A = arith.constant 0.000000e+00 : f32
    %max3A_61 = vector.broadcast %max3A : f32 to vector<256x16x64xf32>
    %max3A_62 = arith.maximumf %add3A_60, %max3A_61 : vector<256x16x64xf32>
    %get3A_63 = arith.constant 0 : index
    %get3A_64 = arith.constant 0 : index
    %get3A_65 = vector.load %arg9[%get3A_63, %get3A_64] : memref<1x64xf32, #tpu.memory_space<vmem>>, vector<1x64xf32>
    %reshape3A_66 = vector.shape_cast %get3A_65 : vector<1x64xf32> to vector<1x1x64xf32>
    %mul3A_67 = vector.broadcast %reshape3A_66 : vector<1x1x64xf32> to vector<256x16x64xf32>
    %mul3A_68 = arith.mulf %max3A_62, %mul3A_67 : vector<256x16x64xf32>
    %reduce_sum3A = arith.constant dense<0.000000e+00> : vector<256x16xf32>
    %reduce_sum3A_69 = vector.multi_reduction <add>, %mul3A_68, %reduce_sum3A [2] : vector<256x16x64xf32> to vector<256x16xf32>
    %get3A_70 = arith.constant 0 : index
    %get3A_71 = arith.constant 0 : index
    %get3A_72 = vector.load %arg10[%get3A_70, %get3A_71] : memref<1x1xf32, #tpu.memory_space<vmem>>, vector<1x1xf32>
    %get3A_73 = vector.extract %get3A_72[0, 0] : f32 from vector<1x1xf32>
    %add3A_74 = vector.broadcast %get3A_73 : f32 to vector<256x16xf32>
    %add3A_75 = arith.addf %reduce_sum3A_69, %add3A_74 : vector<256x16xf32>
    %reduce_max3A = arith.constant dense<0xFF800000> : vector<256xf32>
    %reduce_max3A_76 = vector.multi_reduction <maximumf>, %add3A_75, %reduce_max3A [1] : vector<256x16xf32> to vector<256xf32>
    %broadcast_in_dim3A_77 = vector.shape_cast %reduce_max3A_76 : vector<256xf32> to vector<256x1xf32>
    %sub3A_78 = vector.broadcast %broadcast_in_dim3A_77 : vector<256x1xf32> to vector<256x16xf32>
    %sub3A_79 = arith.subf %add3A_75, %sub3A_78 : vector<256x16xf32>
    %exp3A = math.exp %sub3A_79 : vector<256x16xf32>
    %reduce_sum3A_80 = arith.constant dense<0.000000e+00> : vector<256xf32>
    %reduce_sum3A_81 = vector.multi_reduction <add>, %exp3A, %reduce_sum3A_80 [1] : vector<256x16xf32> to vector<256xf32>
    %broadcast_in_dim3A_82 = vector.shape_cast %reduce_sum3A_81 : vector<256xf32> to vector<256x1xf32>
    %div3A_83 = vector.broadcast %broadcast_in_dim3A_82 : vector<256x1xf32> to vector<256x16xf32>
    %div3A_84 = arith.divf %exp3A, %div3A_83 : vector<256x16xf32>
    %slice3A_85 = vector.extract_strided_slice %get3A_37 {offsets = [0, 64], sizes = [4096, 128], strides = [1, 1]} : vector<4096x256xf32> to vector<4096x128xf32>
    %reshape3A_86 = vector.shape_cast %slice3A_85 : vector<4096x128xf32> to vector<256x16x128xf32>
    %broadcast_in_dim3A_87 = vector.shape_cast %div3A_84 : vector<256x16xf32> to vector<256x16x1xf32>
    %mul3A_88 = vector.broadcast %broadcast_in_dim3A_87 : vector<256x16x1xf32> to vector<256x16x128xf32>
    %mul3A_89 = arith.mulf %reshape3A_86, %mul3A_88 : vector<256x16x128xf32>
    %reduce_sum3A_90 = arith.constant dense<0.000000e+00> : vector<256x128xf32>
    %reduce_sum3A_91 = vector.multi_reduction <add>, %mul3A_89, %reduce_sum3A_90 [1] : vector<256x16x128xf32> to vector<256x128xf32>
    %swap3A = arith.constant 0 : index
    %swap3A_92 = arith.constant 0 : index
    %swap3A_93 = vector.load %arg11[%swap3A, %swap3A_92] : memref<256x128xf32, #tpu.memory_space<vmem>>, vector<256x128xf32>
    tpu.vector_store %arg11[%swap3A, %swap3A_92], %reduce_sum3A_91 {strides = array<i32>} : memref<256x128xf32, #tpu.memory_space<vmem>>, vector<256x128xf32>,
    return
  }
  func.func @transform_0(%arg0: i32) -> (i32, i32) {
    %c0_i32 = arith.constant 0 : i32
    %c0_i32_0 = arith.constant 0 : i32
    %c0_i32_1 = arith.constant 0 : i32
    return %c0_i32, %c0_i32_0 : i32, i32
  }
  func.func @transform_1(%arg0: i32) -> (i32, i32) {
    %c0_i32 = arith.constant 0 : i32
    %c0_i32_0 = arith.constant 0 : i32
    return %arg0, %c0_i32 : i32, i32
  }
  func.func @transform_2(%arg0: i32) -> (i32, i32) {
    %c0_i32 = arith.constant 0 : i32
    %c0_i32_0 = arith.constant 0 : i32
    return %arg0, %c0_i32 : i32, i32
  }
  func.func @transform_3(%arg0: i32) -> (i32, i32) {
    %c0_i32 = arith.constant 0 : i32
    %c0_i32_0 = arith.constant 0 : i32
    return %arg0, %c0_i32 : i32, i32
  }
  func.func @transform_4(%arg0: i32) -> (i32, i32) {
    %c0_i32 = arith.constant 0 : i32
    %c0_i32_0 = arith.constant 0 : i32
    return %arg0, %c0_i32 : i32, i32
  }
  func.func @transform_5(%arg0: i32) -> (i32, i32) {
    %c0_i32 = arith.constant 0 : i32
    %c0_i32_0 = arith.constant 0 : i32
    %c0_i32_1 = arith.constant 0 : i32
    return %c0_i32, %c0_i32_0 : i32, i32
  }
  func.func @transform_6(%arg0: i32) -> (i32, i32) {
    %c0_i32 = arith.constant 0 : i32
    %c0_i32_0 = arith.constant 0 : i32
    %c0_i32_1 = arith.constant 0 : i32
    return %c0_i32, %c0_i32_0 : i32, i32
  }
  func.func @transform_7(%arg0: i32) -> (i32, i32) {
    %c0_i32 = arith.constant 0 : i32
    %c0_i32_0 = arith.constant 0 : i32
    %c0_i32_1 = arith.constant 0 : i32
    return %c0_i32, %c0_i32_0 : i32, i32
  }
  func.func @transform_8(%arg0: i32) -> (i32, i32) {
    %c0_i32 = arith.constant 0 : i32
    %c0_i32_0 = arith.constant 0 : i32
    %c0_i32_1 = arith.constant 0 : i32
    return %c0_i32, %c0_i32_0 : i32, i32
  }
  func.func @transform_9(%arg0: i32) -> (i32, i32) {
    %c0_i32 = arith.constant 0 : i32
    %c0_i32_0 = arith.constant 0 : i32
    %c0_i32_1 = arith.constant 0 : i32
    return %c0_i32, %c0_i32_0 : i32, i32
  }
  func.func @transform_10(%arg0: i32) -> (i32, i32) {
    %c0_i32 = arith.constant 0 : i32
    %c0_i32_0 = arith.constant 0 : i32
    return %arg0, %c0_i32 : i32, i32
  }
}

</mosaic_0001>

<sc_bundles>
// kernel: kernel.9.cloned.1.call-start
scs
__scs_entry_jumppad:
0x0: {  	(pc) =	sbr.rel $0x88, $3  }
0x1: {  	(tag) =	ssettag $0x0;
	lr =	simm.s32 $0x1  }
0x2: {  	[smem:$0x3F97] =	sst lr;
	_ =	strace $0xD0000000  }
0x3: {  	_ = 	snop  }
0x4: {  	_ = 	snop  }
0x5: {  	_ = 	snop  }
0x6: {  	_ = 	snop  }
0x7: {  	_ = 	snop  }
__scs_overlays_trampoline_lowered:
0x8: {  	[smem:$0x3FA6] =	sst s0  }
0x9: {  	[smem:$0x3FA7] =	sst s1  }
0xa: {  	[smem:$0x3FA8] =	sst s2  }
0xb: {  	[smem:$0x3FA9] =	sst s3  }
0xc: {  	[smem:$0x3FAA] =	sst s4  }
0xd: {  	[smem:$0x3FAB] =	sst s5  }
0xe: {  	[smem:$0x3FAC] =	sst s6  }
0xf: {  	[smem:$0x3FAD] =	sst s7  }
0x10: {  	[smem:$0x3FAE] =	sst s8  }
0x11: {  	[smem:$0x3FAF] =	sst s9;
	s0 =	simm.s32 @!p0 $0x0  }
0x12: {  	s1 =	sld [smem:$0x3F95];
	s0 =	simm.s32 @p0 $0x1  }
0x13: {  	[smem:$0x3FB0] =	sst s0;
	s0 =	simm.s32 @!p1 $0x0  }
0x14: {  	s2 =	sld [smem:$0x3F94];
	s0 =	simm.s32 @p1 $0x1  }
0x15: {  	[smem:$0x3FB1] =	sst s0;
	s0 =	simm.s32 @!p2 $0x0  }
0x16: {  	s3 =	sld [smem:$0x3FDB];
	s0 =	simm.s32 @p2 $0x1  }
0x17: {  	s4 =	simm.s32 $0x1BF5;
	[smem:$0x3FB3] =	sst s0  }
0x18: {  	s0 =	sld [smem:$0x3F96];
	_ =	swait.ge [sflag:s4], $0x0  }
0x19: {  	s7 =	sld [smem:$0x3F97]  }
0x1a: {  	s8 =	sadd.s32 $0xFFFFE003, lr  }
0x1b: {  	s9 =	sadd.s32 $0xFFFFFEF7, lr;
	s5 =	simm.s32 $0xFFFFFFFF;
	p2 =	slt.u32 s8, $0xFFFFF086  }
0x1c: {  	p1 =	slt.u32 s9, $0xF7A;
	s5 =	simm.s32 @!p2 $0x0  }
0x1d: {  	s5 =	simm.s32 @p1 $0x1;
	p0 =	seq.s32 s7, s2  }
0x1e: {  	s7 =	smul.u32 @!p0 $0xF7A, s2;
	p2 =	seq.s32 @!p0 s5, $0x0  }
0x1f: {  	s9 =	smul.u32 $0xF7A, s1;
	s8 =	simm.s32 @!p0 $0x1BF5;
	p2 =	por !p2, p0  }
0x20: {  	[sflag:s8] =	ssyncset.s32 @!p0 $0xFFFFF086;
	s6 =	sadd.s32 @!p0 s3, s7;
	s7 =	simm.s32 @!p0 $0x108  }
0x21: {  	s3 =	sadd.s32 s3, s9;
	s6 =	sadd.s32 @!p0 $0x88, s6;
	s7 =	simm.s32 @p2 $0x1082  }
0x22: {  	[simem:s7], [sflag:s8] =	dma.local @!p0 [hbm:s6], $0xF7A  }
0x23: {  	s9 =	sor.u32 $0xD0000000, s2;
	s6 =	simm.s32 $0x108;
	_ =	swait.ge @!p0 [sflag:s8], $0x0  }
0x24: {  	s3 =	sadd.s32 $0x88, s3;
	s6 =	simm.s32 @!p1 $0x1082;
	[sflag:s4] =	ssyncset.s32 $0xFFFFF086  }
0x25: {  	[simem:s6], [sflag:s4] =	dma.local [hbm:s3], $0xF7A  }
0x26: {  	[smem:$0x3F97] =	sst s1;
	(tag) =	ssettag s2;
	_ =	strace s9  }
0x27: {  	s1 =	sld [smem:$0x3FA7]  }
0x28: {  	s2 =	sld [smem:$0x3FA8]  }
0x29: {  	s4 =	sld [smem:$0x3FAA]  }
0x2a: {  	p0 =	seq.s32 s5, $0x0;
	s5 =	sld [smem:$0x3FAB]  }
0x2b: {  	s6 =	sld [smem:$0x3FAC]  }
0x2c: {  	s7 =	sld [smem:$0x3FAD]  }
0x2d: {  	s3 =	simm.s32 $0x108;
	s8 =	sld [smem:$0x3FAE]  }
0x2e: {  	s3 =	simm.s32 @!p0 $0x1082;
	s9 =	sld [smem:$0x3FAF]  }
0x2f: {  	lr =	sadd.s32 s0, s3;
	s0 =	sld [smem:$0x3FA6]  }
0x30: {  	s3 =	sld [smem:$0x3FA9]  }
0x31: {  	[smem:$0x3FB2] =	sst s10  }
0x32: {  	s10 =	sld [smem:$0x3FB0];
	_ =	sdelay $0x3  }
0x33: {  	p0 =	seq.s32 s10, $0x1;
	s10 =	sld [smem:$0x3FB2];
	_ =	sdelay $0x3  }
0x34: {  	[smem:$0x3FB2] =	sst s10  }
0x35: {  	s10 =	sld [smem:$0x3FB1];
	_ =	sdelay $0x3  }
0x36: {  	p1 =	seq.s32 s10, $0x1;
	s10 =	sld [smem:$0x3FB2];
	_ =	sdelay $0x3  }
0x37: {  	[smem:$0x3FB2] =	sst s10  }
0x38: {  	s10 =	sld [smem:$0x3FB3]  }
0x39: {  	_ = 	snop;
	(pc) =	sbr.ind lr, $3  }
0x3a: {  	_ = 	snop  }
0x3b: {  	_ = 	snop  }
0x3c: {  	p2 =	seq.s32 s10, $0x1;
	s10 =	sld [smem:$0x3FB2]  }
0x3d: {  	_ =	shalt  }
0x3e: {  	_ =	shalt  }
0x3f: {  	_ =	shalt  }
0x40: {  	_ =	shalt  }
0x41: {  	_ =	shalt  }
0x42: {  	_ =	shalt  }
0x43: {  	_ =	shalt  }
0x44: {  	_ =	shalt  }
0x45: {  	_ =	shalt  }
0x46: {  	_ =	shalt  }
0x47: {  	_ =	shalt  }
0x48: {  	_ =	shalt  }
0x49: {  	_ =	shalt  }
0x4a: {  	_ =	shalt  }
0x4b: {  	_ =	shalt  }
0x4c: {  	_ =	shalt  }
0x4d: {  	_ =	shalt  }
0x4e: {  	_ =	shalt  }
0x4f: {  	_ =	shalt  }
0x50: {  	_ =	shalt  }
0x51: {  	_ =	shalt  }
0x52: {  	_ =	shalt  }
0x53: {  	_ =	shalt  }
0x54: {  	_ =	shalt  }
0x55: {  	_ =	shalt  }
0x56: {  	_ =	shalt  }
0x57: {  	_ =	shalt  }
0x58: {  	_ =	shalt  }
0x59: {  	_ =	shalt  }
0x5a: {  	_ =	shalt  }
0x5b: {  	_ =	shalt  }
0x5c: {  	_ =	shalt  }
0x5d: {  	_ =	shalt  }
0x5e: {  	_ =	shalt  }
0x5f: {  	_ =	shalt  }
0x60: {  	_ =	shalt  }
0x61: {  	_ =	shalt  }
0x62: {  	_ =	shalt  }
0x63: {  	_ =	shalt  }
0x64: {  	_ =	shalt  }
0x65: {  	_ =	shalt  }
0x66: {  	_ =	shalt  }
0x67: {  	_ =	shalt  }
0x68: {  	_ =	shalt  }
0x69: {  	_ =	shalt  }
0x6a: {  	_ =	shalt  }
0x6b: {  	_ =	shalt  }
0x6c: {  	_ =	shalt  }
0x6d: {  	_ =	shalt  }
0x6e: {  	_ =	shalt  }
0x6f: {  	_ =	shalt  }
0x70: {  	_ =	shalt  }
0x71: {  	_ =	shalt  }
0x72: {  	_ =	shalt  }
0x73: {  	_ =	shalt  }
0x74: {  	_ =	shalt  }
0x75: {  	_ =	shalt  }
0x76: {  	_ =	shalt  }
0x77: {  	_ =	shalt  }
0x78: {  	_ =	shalt  }
0x79: {  	_ =	shalt  }
0x7a: {  	_ =	shalt  }
0x7b: {  	_ =	shalt  }
0x7c: {  	_ =	shalt  }
0x7d: {  	_ =	shalt  }
0x7e: {  	_ =	shalt  }
0x7f: {  	_ =	shalt  }
0x80: {  	_ =	shalt  }
0x81: {  	_ =	shalt  }
0x82: {  	_ =	shalt  }
0x83: {  	_ =	shalt  }
0x84: {  	_ =	shalt  }
0x85: {  	_ =	shalt  }
0x86: {  	_ =	shalt  }
0x87: {  	_ =	shalt  }
.Lfunc_end0:
.L_simem_size_0:
called_computation_lowered:
.L_overlay_start_0:
0x88: {  	s2 =	sld [smem:$0x3FD9]  }
0x89: {  	s3 =	sld [smem:$0x3FFE];
	_ =	sdelay $0x1  }
0x8a: {  	s1 =	srdreg.scid  }
0x8b: {  	s0 =	sand.u32 $0x1, s1  }
0x8c: {  	s14 =	sshll.u32 s0, $0xA;
	s2 =	sadd.s32 s3, s2  }
0x8d: {  	s2 =	sadd.s32 s2, s14  }
0x8e: {  	[smem:$0x3FBE] =	sst s2  }
0x8f: {  	_ = 	snop  }
0x90: {  	s2 =	sld [smem:$0x3FD0];
	_ =	sdelay $0x2  }
0x91: {  	s15 =	simm.s32 $0xA;
	s4 =	simm.s32 $0x10  }
0x92: {  	[smem:s4], [sflag:s15] =	dma.local [hbm:s2], $0x1  }
0x93: {  	_ =	swait.eq [sflag:s15], $0x1  }
0x94: {  	[sflag:s15] =	ssyncset.done $0x0  }
0x95: {  	[sflag:s15] =	ssyncadd.s32 $0xFFFFFFFF  }
0x96: {  	s16 =	sld [smem:$0x11];
	(tm) =	ssettm $0x1  }
0x97: {  	s17 =	sld [smem:$0x3FFB];
	_ =	sdelay $0x3  }
0x98: {  	_ =	strace s17  }
0x99: {  	s3 =	sld [smem:$0x3FFC];
	_ =	sdelay $0x3  }
0x9a: {  	_ =	strace s3  }
0x9b: {  	s3 =	sld [smem:$0x3FFD];
	_ =	sdelay $0x3  }
0x9c: {  	_ =	strace s3  }
0x9d: {  	_ =	strace $0x8FFFFFFF  }
0x9e: {  	s18 =	sld [smem:$0x3FDB];
	_ =	sdelay $0x1  }
0x9f: {  	s19 =	simm.s32 $_scs_section_size  }
0xa0: {  	s5 =	simm.s32 $_size__tile_overlayer_lowered;
	s6 =	simm.s32 $_tile_overlayer_lowered  }
0xa1: {  	s22 =	simm.s32 $0x1BFF;
	s21 =	sshll.u32 s6, $0x1;
	s3 =	sadd.s32 s19, s18  }
0xa2: {  	s7 =	simm.s32 $0x0;
	s20 =	sshll.u32 s5, $0x1;
	s5 =	sadd.s32 s21, s3  }
0xa3: {  	[timem:s7], [sflag:s22] =	dma.local [hbm:s5], s20  }
0xa4: {  	_ =	swait.ge [sflag:s22], s20  }
0xa5: {  	s4 =	ssub.s32 $0x0, s20;
	[sflag:s22] =	ssyncset.done $0x0  }
0xa6: {  	[sflag:s22] =	ssyncadd.s32 s4;
	_ =	sdelay $0x1  }
0xa7: {  	s23 =	simm.s32 $0x1B8B  }
0xa8: {  	_ =	swait.ge [sflag:s23], $0x1  }
0xa9: {  	[sflag:s23] =	ssyncset.done $0x0  }
0xaa: {  	s25 =	simm.s32 $0x1B8E;
	s24 =	sld [smem:$0x3FFE];
	[sflag:s23] =	ssyncadd.s32 $0xFFFFFFFF  }
0xab: {  	s26 =	simm.s32 $execute0_lowered;
	[smem:$0x3FD2] =	sst s25  }
0xac: {  	s5 =	sshll.u32 s26, $0x1;
	_ =	strace $0x80000046;
	[dreg:$0x1] =	wrdreg $0xFFFFFFFF  }
0xad: {  	s28 =	simm.s32 $_size_execute0_lowered;
	s3 =	sadd.s32 s3, s5;
	[dreg:$0x0] =	wrdreg $0x0  }
0xae: {  	s5 =	sshll.u32 s28, $0x1;
	[dreg:$0x2] =	wrdreg s3  }
0xaf: {  	[dreg:$0x3] =	wrdreg s5  }
0xb0: {  	[dreg:$0x4] =	wrdreg $0xC0  }
0xb1: {  	_ =	task [dreg:s7], $0x5FFFF  }
0xb2: {  	[dreg:$0x1] =	wrdreg $0xFFFFFFFF  }
0xb3: {  	[dreg:$0x0] =	wrdreg $0x60  }
0xb4: {  	[dreg:$0x2] =	wrdreg s24  }
0xb5: {  	[dreg:$0x3] =	wrdreg s16  }
0xb6: {  	[dreg:$0x4] =	wrdreg $0x9  }
0xb7: {  	_ =	task.clear_ibuf [dreg:s7], $0x5FFFF;
	_ =	strace $0x90000046  }
0xb8: {  	s29 =	simm.s32 $0x9;
	_ =	strace $0x80000048  }
0xb9: {  	_ =	swait.ge [sflag:s29], $0x1  }
0xba: {  	[sflag:s29] =	ssyncadd.s32 $0xFFFFFFFF  }
0xbb: {  	_ =	strace $0x90000048  }
0xbc: {  	_ =	sfence  }
0xbd: {  	s30 =	sld [smem:$0x0];
	_ =	sdelay $0x2  }
0xbe: {  	s31 =	sshll.u32 s1, $0xD;
	s1 =	sshrl.u32 s1, $0x2  }
0xbf: {  	s3 =	sand.u32 $0x4000, s31;
	s1 =	sadd.s32 s1, s30  }
0xc0: {  	s0 =	sor.u32 s3, s0;
	s1 =	sshll.u32 s1, $0x11  }
0xc1: {  	s0 =	sor.u32 s1, s0  }
0xc2: {  	s0 =	sadd.s32 $0x8F2B, s0  }
0xc3: {  	[sflag:s0] =	ssyncadd.remote.s32 $0x1  }
0xc4: {  	_ =	sfence.sel $0xFFFF  }
0xc5: {  	[dreg:$0x0] =	wrdreg $0xFFFFFFFF;
	(pc) =	sbr.abs _section_cstart, $3  }
0xc6: {  	[dreg:$0x1] =	wrdreg $0xFFFFFFFF  }
0xc7: {  	_ =	task.clear_ibuf [dreg:s7], $0x2FFFF;
	_ =	strace $0x9FFFFFFF  }
0xc8: {  	(tm) =	ssettm $0x7FFFFFFF  }
0xc9: {  	_ =	shalt  }
tec
execute0_lowered:
.L_overlay_start_1:
0x0: {  	(tag) =	ssettag $0x1  }
0x1: {  	s5 =	rddreg [dreg:$0x0]  }
0x2: {  	s1 =	rddreg [dreg:$0x1]  }
0x3: {  	s3 =	srdreg.scid;
	s0 =	rddreg [dreg:$0x2];
	s2 =	simm.s32 $0x0  }
0x4: {  	s10 =	simm.s32 $0x880;
	s11 =	simm.s32 $0x1080;
	s12 =	simm.s32 $0x1880  }
0x5: {  	s13 =	simm.s32 $0x2080;
	s14 =	simm.s32 $0x2880;
	s15 =	simm.s32 $0x3080  }
0x6: {  	s16 =	simm.s32 $0x3880;
	s17 =	simm.s32 $0x4080;
	s18 =	simm.s32 $0x4880  }
0x7: {  	s19 =	simm.s32 $0x5080;
	s20 =	simm.s32 $0x5880;
	s21 =	simm.s32 $0x6080  }
0x8: {  	s22 =	simm.s32 $0x6880;
	s23 =	simm.s32 $0x7080;
	s24 =	simm.s32 $0x7880  }
0x9: {  	s25 =	simm.s32 $0x1;
	s26 =	simm.s32 $0x0;
	s6 =	sand.u32 $0x1, s3  }
0xa: {  	[smem:$0x7FF] =	sst s2;
	s3 =	stileid.u32;
	s4 =	sadd.s32 $0x1A00, s5  }
0xb: {  	s7 =	ssub.s32 $0x2, s6;
	_ =	strace $0x80000047;
	s9 =	sshll.u32 s3, $0x11  }
0xc: {  	s29 =	sshll.u32 s6, $0x10;
	s30 =	sshll.u32 s3, $0x9;
	s8 =	sshrl.u32 s7, $0x1  }
0xd: {  	v2 =	vlaneseq.u32;
	s31 =	sshll.u32 s6, $0x8;
	s28 =	sadd.s32 s9, s5;
	s7 =	ssub.s32 s7, s8  }
0xe: {  	vm0 =	vmmov $0xffff;
	v1 =	vshrl.u32 v2, $0x3;
	s9 =	simm.s32 $0x80;
	s5 =	smax.u32 s7, $0x1;
	s7 =	sadd.s32 s29, s28  }
0xf: {  	v0 =	vand.u32 $0x7, v2;
	v2 =	vor.u32 $0x8, v2;
	v1 =	vmul.u32 $0x8, v1;
	s8 =	simm.s32 $0x2;
	s6 =	sadd.s32 $0x81A00, s7;
	s7 =	sor.u32 s31, s30  }
.LBB2_1:
0x10: {  	s28 =	smov.u32 s6;
	s29 =	simm.s32 $0x0  }
.LBB2_2:
0x11: {  	s30 =	sadd.s32 s29, s7;
	s31 =	sand.u32 $0x70, s29  }
0x12: {  	s30 =	sand.u32 $0x1F80, s30;
	s31 =	sadd.s32 s1, s31  }
0x13: {  	s30 =	sadd.s32 s30, s31  }
0x14: {  	[tilespmem:s2], [sflag:$0x2] =	stream.linear.gather [hbm4b:s30+s2], $0x80, $0x38;
	[tilespmem:$0x8080] =	vst v63  }
0x15: {  	_ =	swait.ge [sflag:s8], $0x80  }
0x16: {  	[sflag:s8] =	ssyncset.done $0x0  }
0x17: {  	[sflag:s8] =	ssyncadd.s32 $0xFFFFFF80  }
0x18: {  	v3 =	vld [tilespmem:$0x0];
	_ =	sdelay $0x4  }
0x19: {  	v4 =	vshll.u32 v3, $0x1  }
0x1a: {  	v3 =	vand.u32 $0x7, v3;
	v4 =	vand.u32 $0xFFFFFFF0, v4  }
0x1b: {  	v3 =	vor.u32 v3, v4  }
0x1c: {  	v4 =	vperm.xlane v3, v0;
	_ =	sdelay $0x1  }
0x1d: {  	v3 =	vperm.xlane v3, v2;
	v4 =	vadd.s32 v1, v4;
	_ =	sdelay $0x1  }
0x1e: {  	v3 =	vadd.s32 v1, v3;
	_ =	sdelay $0x2  }
0x1f: {  	[tilespmem:s9], [sflag:$0x1] =	stream.indirect_vreg.gather [hbm4b:s4+s2], $0x80, v4, vm0, $0xb8;
	[tilespmem:$0x8080] =	vst v63  }
0x20: {  	_ = 	snop  }
0x21: {  	[tilespmem:s10], [sflag:$0x1] =	stream.indirect_vreg.gather [hbm4b:s4+s2], $0x80, v3, vm0, $0xb8;
	[tilespmem:$0x8080] =	vst v63  }
0x22: {  	v3 =	vld [tilespmem:$0x10];
	_ =	sdelay $0x4  }
0x23: {  	v57 =	vshll.u32 v3, $0x1  }
0x24: {  	v3 =	vand.u32 $0x7, v3;
	v4 =	vand.u32 $0xFFFFFFF0, v57  }
0x25: {  	v3 =	vor.u32 v3, v4  }
0x26: {  	v4 =	vperm.xlane v3, v0;
	_ =	sdelay $0x1  }
0x27: {  	v3 =	vperm.xlane v3, v2;
	v4 =	vadd.s32 v1, v4;
	_ =	sdelay $0x1  }
0x28: {  	v3 =	vadd.s32 v1, v3;
	_ =	sdelay $0x2  }
0x29: {  	[tilespmem:s11], [sflag:$0x1] =	stream.indirect_vreg.gather [hbm4b:s4+s2], $0x80, v4, vm0, $0xb8;
	[tilespmem:$0x8080] =	vst v63  }
0x2a: {  	_ = 	snop  }
0x2b: {  	[tilespmem:s12], [sflag:$0x1] =	stream.indirect_vreg.gather [hbm4b:s4+s2], $0x80, v3, vm0, $0xb8;
	[tilespmem:$0x8080] =	vst v63  }
0x2c: {  	v3 =	vld [tilespmem:$0x20];
	_ =	sdelay $0x4  }
0x2d: {  	v58 =	vshll.u32 v3, $0x1  }
0x2e: {  	v3 =	vand.u32 $0x7, v3;
	v4 =	vand.u32 $0xFFFFFFF0, v58  }
0x2f: {  	v3 =	vor.u32 v3, v4  }
0x30: {  	v4 =	vperm.xlane v3, v0;
	_ =	sdelay $0x1  }
0x31: {  	v3 =	vperm.xlane v3, v2;
	v4 =	vadd.s32 v1, v4;
	_ =	sdelay $0x1  }
0x32: {  	v3 =	vadd.s32 v1, v3;
	_ =	sdelay $0x2  }
0x33: {  	[tilespmem:s13], [sflag:$0x1] =	stream.indirect_vreg.gather [hbm4b:s4+s2], $0x80, v4, vm0, $0xb8;
	[tilespmem:$0x8080] =	vst v63  }
0x34: {  	_ = 	snop  }
0x35: {  	[tilespmem:s14], [sflag:$0x1] =	stream.indirect_vreg.gather [hbm4b:s4+s2], $0x80, v3, vm0, $0xb8;
	[tilespmem:$0x8080] =	vst v63  }
0x36: {  	v3 =	vld [tilespmem:$0x30];
	_ =	sdelay $0x4  }
0x37: {  	v59 =	vshll.u32 v3, $0x1  }
0x38: {  	v3 =	vand.u32 $0x7, v3;
	v4 =	vand.u32 $0xFFFFFFF0, v59  }
0x39: {  	v3 =	vor.u32 v3, v4  }
0x3a: {  	v4 =	vperm.xlane v3, v0;
	_ =	sdelay $0x1  }
0x3b: {  	v3 =	vperm.xlane v3, v2;
	v4 =	vadd.s32 v1, v4;
	_ =	sdelay $0x1  }
0x3c: {  	v3 =	vadd.s32 v1, v3;
	_ =	sdelay $0x2  }
0x3d: {  	[tilespmem:s15], [sflag:$0x1] =	stream.indirect_vreg.gather [hbm4b:s4+s2], $0x80, v4, vm0, $0xb8;
	[tilespmem:$0x8080] =	vst v63  }
0x3e: {  	_ = 	snop  }
0x3f: {  	[tilespmem:s16], [sflag:$0x1] =	stream.indirect_vreg.gather [hbm4b:s4+s2], $0x80, v3, vm0, $0xb8;
	[tilespmem:$0x8080] =	vst v63  }
0x40: {  	v3 =	vld [tilespmem:$0x40];
	_ =	sdelay $0x4  }
0x41: {  	v60 =	vshll.u32 v3, $0x1  }
0x42: {  	v3 =	vand.u32 $0x7, v3;
	v4 =	vand.u32 $0xFFFFFFF0, v60  }
0x43: {  	v3 =	vor.u32 v3, v4  }
0x44: {  	v4 =	vperm.xlane v3, v0;
	_ =	sdelay $0x1  }
0x45: {  	v3 =	vperm.xlane v3, v2;
	v4 =	vadd.s32 v1, v4;
	_ =	sdelay $0x1  }
0x46: {  	v3 =	vadd.s32 v1, v3;
	_ =	sdelay $0x2  }
0x47: {  	[tilespmem:s17], [sflag:$0x1] =	stream.indirect_vreg.gather [hbm4b:s4+s2], $0x80, v4, vm0, $0xb8;
	[tilespmem:$0x8080] =	vst v63  }
0x48: {  	_ = 	snop  }
0x49: {  	[tilespmem:s18], [sflag:$0x1] =	stream.indirect_vreg.gather [hbm4b:s4+s2], $0x80, v3, vm0, $0xb8;
	[tilespmem:$0x8080] =	vst v63  }
0x4a: {  	v3 =	vld [tilespmem:$0x50];
	_ =	sdelay $0x4  }
0x4b: {  	v61 =	vshll.u32 v3, $0x1  }
0x4c: {  	v3 =	vand.u32 $0x7, v3;
	v4 =	vand.u32 $0xFFFFFFF0, v61  }
0x4d: {  	v3 =	vor.u32 v3, v4  }
0x4e: {  	v4 =	vperm.xlane v3, v0;
	_ =	sdelay $0x1  }
0x4f: {  	v3 =	vperm.xlane v3, v2;
	v4 =	vadd.s32 v1, v4;
	_ =	sdelay $0x1  }
0x50: {  	v3 =	vadd.s32 v1, v3;
	_ =	sdelay $0x2  }
0x51: {  	[tilespmem:s19], [sflag:$0x1] =	stream.indirect_vreg.gather [hbm4b:s4+s2], $0x80, v4, vm0, $0xb8;
	[tilespmem:$0x8080] =	vst v63  }
0x52: {  	_ = 	snop  }
0x53: {  	[tilespmem:s20], [sflag:$0x1] =	stream.indirect_vreg.gather [hbm4b:s4+s2], $0x80, v3, vm0, $0xb8;
	[tilespmem:$0x8080] =	vst v63  }
0x54: {  	v3 =	vld [tilespmem:$0x60];
	_ =	sdelay $0x4  }
0x55: {  	v62 =	vshll.u32 v3, $0x1  }
0x56: {  	v3 =	vand.u32 $0x7, v3;
	v4 =	vand.u32 $0xFFFFFFF0, v62  }
0x57: {  	v3 =	vor.u32 v3, v4  }
0x58: {  	v4 =	vperm.xlane v3, v0;
	_ =	sdelay $0x1  }
0x59: {  	v3 =	vperm.xlane v3, v2;
	v4 =	vadd.s32 v1, v4;
	_ =	sdelay $0x1  }
0x5a: {  	v3 =	vadd.s32 v1, v3;
	_ =	sdelay $0x2  }
0x5b: {  	[tilespmem:s21], [sflag:$0x1] =	stream.indirect_vreg.gather [hbm4b:s4+s2], $0x80, v4, vm0, $0xb8;
	[tilespmem:$0x8080] =	vst v63  }
0x5c: {  	_ = 	snop  }
0x5d: {  	[tilespmem:s22], [sflag:$0x1] =	stream.indirect_vreg.gather [hbm4b:s4+s2], $0x80, v3, vm0, $0xb8;
	[tilespmem:$0x8080] =	vst v63  }
0x5e: {  	v3 =	vld [tilespmem:$0x70];
	_ =	sdelay $0x4  }
0x5f: {  	v63 =	vshll.u32 v3, $0x1  }
0x60: {  	v3 =	vand.u32 $0x7, v3;
	v4 =	vand.u32 $0xFFFFFFF0, v63  }
0x61: {  	v3 =	vor.u32 v3, v4  }
0x62: {  	v4 =	vperm.xlane v3, v0;
	_ =	sdelay $0x1  }
0x63: {  	v3 =	vperm.xlane v3, v2;
	v4 =	vadd.s32 v1, v4;
	_ =	sdelay $0x1  }
0x64: {  	v3 =	vadd.s32 v1, v3;
	_ =	sdelay $0x2  }
0x65: {  	[tilespmem:s23], [sflag:$0x1] =	stream.indirect_vreg.gather [hbm4b:s4+s2], $0x80, v4, vm0, $0xb8;
	[tilespmem:$0x8080] =	vst v63  }
0x66: {  	_ = 	snop  }
0x67: {  	[tilespmem:s24], [sflag:$0x1] =	stream.indirect_vreg.gather [hbm4b:s4+s2], $0x80, v3, vm0, $0xb8;
	[tilespmem:$0x8080] =	vst v63  }
0x68: {  	_ =	swait.ge [sflag:s25], $0x8000  }
0x69: {  	p0 =	sne.s32 s29, $0xF0;
	[sflag:s25] =	ssyncset.done $0x0  }
.Ltmp0:
0x6a: {  	[sflag:s25] =	ssyncadd.s32 $0xFFFF8000;
	(pc) =	sbr.rel @p0 .LBB2_2-.Ltmp0, $4  }
0x6b: {  	[hbm4b:s28+s2] =	stream.linear.scatter [tilespmem:s9], [sflag:$0x2], $0x8000, $0x38;
	[tilespmem:$0x8080] =	vst v63  }
0x6c: {  	_ =	swait.ge [sflag:s8], $0x8000  }
0x6d: {  	[sflag:s8] =	ssyncset.done $0x0  }
0x6e: {  	s29 =	sadd.s32 $0x10, s29;
	s28 =	sadd.s32 $0x1000, s28;
	[sflag:s8] =	ssyncadd.s32 $0xFFFF8000  }
0x6f: {  	s26 =	sadd.s32 $0x1, s26  }
0x70: {  	p0 =	sne.s32 s26, s5  }
.Ltmp1:
0x71: {  	_ = 	snop;
	(pc) =	sbr.rel @p0 .LBB2_1-.Ltmp1, $1  }
0x72: {  	_ =	sdelay $0x3  }
0x73: {  	_ =	sfence.sel $0x180000  }
0x74: {  	[bflag:$0x0] =	sbarrier.arrive $0xFFFF  }
0x75: {  	p0 =	sne.s32 s3, $0x0;
	_ =	strace $0x90000047  }
0x76: {  	s0 =	sadd.s32 @!p0 $0x100000, s0;
	[bflag:$0x2] =	sbarrier.arrive $0xFFFF  }
0x77: {  	[sflag:s0] =	ssyncadd.tile.s32 @!p0 $0x1;
	_ =	shalt  }
.Lfunc_end2:
_tile_overlayer_lowered:
.L_overlay_start_2:
0x78: {  	(tag) =	ssettag $0x2  }
0x79: {  	s0 =	rddreg [dreg:$0x0];
	s2 =	stileid.u32  }
0x7a: {  	s1 =	rddreg [dreg:$0x1];
	p0 =	sne.s32 s2, $0x0  }
0x7b: {  	s3 =	rddreg [dreg:$0x2];
	[bflag:$0x3] =	sbarrier.arrive $0xFFFF;
	s2 =	simm.s32 @!p0 $0x1C02  }
0x7c: {  	[timem:s3], [sflag:s2] =	dma.local @!p0 [hbm:s0], s1  }
0x7d: {  	s0 =	simm.s32 @!p0 $0x2  }
0x7e: {  	_ =	swait.ge @!p0 [sflag:s0], s1  }
0x7f: {  	s1 =	ssub.s32 @!p0 $0x0, s1;
	[sflag:s0] =	ssyncset.done @!p0 $0x0  }
0x80: {  	[sflag:s0] =	ssyncadd.s32 @!p0 s1  }
0x81: {  	[bflag:$0x3] =	sbarrier.arrive $0xFFFF  }
0x82: {  	_ =	shalt  }

</sc_bundles>
